<compile_context>
chip_gen: v7x
topology: tpu7x:2x2x1
jax: 0.10.2.dev20260603
libtpu: 0.0.44.dev20260713+nightly
codegen_flags: <defaults>
</compile_context>

<pallas_src>
import jax
import jax.numpy as jnp
from jax import lax
from jax.experimental import pallas as pl
from jax.experimental.pallas import tpu as pltpu
from jax.experimental.pallas import tpu_sc as plsc

NC = 2
NS = 16
L = 16


def _round_up(x, m):
    return (x + m - 1) // m * m


def _make_phase_a(M, D, B):
    NW = NC * NS
    CHUNK = B // NW
    NVEC = B // L
    VPW = NVEC // NS
    RANGE = _round_up(-(-M // NS), L)

    SENT = 1 << 30

    def body(fs_hbm, val_hbm, idx_hbm, frame_hbm,
             ids_hbm, obs_hbm,
             ded_idx, idx_chunk, midx_all, m16, wslab, src_v, rows_v,
             stamp_v, frame_v, wsh_w, wsh_m, sem, sem2, sem3):
        cid = lax.axis_index("c")
        sid = lax.axis_index("s")
        g = cid * NS + sid

        mo = sid * VPW * L
        pltpu.sync_copy(idx_hbm.at[pl.ds(mo, VPW * L)], ded_idx)
        pltpu.sync_copy(idx_hbm.at[pl.ds(g * CHUNK, CHUNK)], idx_chunk)
        pltpu.sync_copy(frame_hbm, frame_v)

        fvec = frame_v[...]

        @pl.loop(0, CHUNK // L)
        def _fill(i):
            stamp_v[pl.ds(i * L, L)] = fvec

        cp_ids = pltpu.async_copy(
            idx_chunk, ids_hbm.at[pl.ds(g * CHUNK, CHUNK)], sem3)
        cp_fs = pltpu.async_copy(stamp_v, fs_hbm.at[idx_chunk], sem3)

        r0 = sid * RANGE
        iota = lax.iota(jnp.int32, L)
        rotk = (iota + (L - 1)) & (L - 1)
        is_top = iota == L - 1

        @pl.loop(0, VPW, unroll=4)
        def _dedup(j):
            iv = ded_idx[pl.ds(j * L, L)]
            cs = lax.sort((iv << 4) | iota)
            _, nxt = plsc.sort_key_val(rotk, cs)
            win = ((cs >> 4) != (nxt >> 4)) | is_top
            plsc.store_scatter(m16, [cs & (L - 1)],
                               jnp.where(win, 1, 0))
            midx_all[pl.ds(mo + j * L, L)] = jnp.where(
                m16[...] != 0, iv, SENT)

        pltpu.sync_copy(midx_all.at[pl.ds(mo, VPW * L)],
                        wsh_m.at[pl.ds(mo, VPW * L)])
        plsc.subcore_barrier()
        pltpu.sync_copy(wsh_m, midx_all)

        @pl.loop(0, NVEC, unroll=8)
        def _scan(v):
            local = midx_all[pl.ds(v * L, L)] - r0
            m = (local >= 0) & (local < RANGE)
            safe = jnp.where(m, local, 0)
            plsc.store_scatter(wslab, [safe], v * L + iota, mask=m)

        pltpu.sync_copy(wslab, wsh_w.at[pl.ds(sid * RANGE, RANGE)])
        plsc.subcore_barrier()

        H = CHUNK // 2
        pltpu.async_copy(wsh_w.at[idx_chunk], src_v, sem).wait()
        cp_g0 = pltpu.async_copy(
            val_hbm.at[src_v.at[pl.ds(0, H)]], rows_v.at[pl.ds(0, H)], sem)
        cp_g1 = pltpu.async_copy(
            val_hbm.at[src_v.at[pl.ds(H, H)]], rows_v.at[pl.ds(H, H)], sem2)
        cp_g0.wait()
        cp_w0 = pltpu.async_copy(
            rows_v.at[pl.ds(0, H)], obs_hbm.at[pl.ds(g * CHUNK, H)], sem)
        cp_g1.wait()
        cp_w1 = pltpu.async_copy(
            rows_v.at[pl.ds(H, H)], obs_hbm.at[pl.ds(g * CHUNK + H, H)], sem2)
        cp_w0.wait()
        cp_w1.wait()

        cp_ids.wait()
        cp_fs.wait()

    return pl.kernel(
        body,
        out_type=(
            jax.ShapeDtypeStruct((B,), jnp.int32),
            jax.ShapeDtypeStruct((B, D), jnp.float32),
        ),
        mesh=plsc.VectorSubcoreMesh(
            core_axis_name="c", subcore_axis_name="s",
            num_cores=NC, num_subcores=NS,
        ),
        scratch_types=[
            pltpu.VMEM((B // NS,), jnp.int32),
            pltpu.VMEM((CHUNK,), jnp.int32),
            pltpu.VMEM((B,), jnp.int32),
            pltpu.VMEM((L,), jnp.int32),
            pltpu.VMEM((RANGE,), jnp.int32),
            pltpu.VMEM((CHUNK,), jnp.int32),
            pltpu.VMEM((CHUNK, D), jnp.float32),
            pltpu.VMEM((CHUNK,), jnp.int32),
            pltpu.VMEM((L,), jnp.int32),
            pltpu.VMEM_SHARED((NS * RANGE,), jnp.int32),
            pltpu.VMEM_SHARED((B,), jnp.int32),
            pltpu.SemaphoreType.DMA,
            pltpu.SemaphoreType.DMA,
            pltpu.SemaphoreType.DMA,
        ],
        compiler_params=pltpu.CompilerParams(needs_layout_passes=False),
        name="tracklet_obs_ids_frame",
    )


def _make_phase_b(M, D, B):
    NW = NC * NS
    CHUNK = B // NW

    def body(mem_hbm, obs_hbm, idx_hbm,
             idx_chunk0, idx_chunk1, rows_v, sem, sem2):
        cid = lax.axis_index("c")
        sid = lax.axis_index("s")
        g = cid * NS + sid
        H = CHUNK // 2

        pltpu.sync_copy(idx_hbm.at[pl.ds(g * CHUNK, H)], idx_chunk0)
        cp_r0 = pltpu.async_copy(
            obs_hbm.at[pl.ds(g * CHUNK, H)], rows_v.at[pl.ds(0, H)], sem)
        pltpu.sync_copy(idx_hbm.at[pl.ds(g * CHUNK + H, H)], idx_chunk1)
        cp_r1 = pltpu.async_copy(
            obs_hbm.at[pl.ds(g * CHUNK + H, H)], rows_v.at[pl.ds(H, H)], sem2)
        cp_r0.wait()
        cp_s0 = pltpu.async_copy(
            rows_v.at[pl.ds(0, H)], mem_hbm.at[idx_chunk0], sem)
        cp_r1.wait()
        cp_s1 = pltpu.async_copy(
            rows_v.at[pl.ds(H, H)], mem_hbm.at[idx_chunk1], sem2)
        cp_s0.wait()
        cp_s1.wait()

    return pl.kernel(
        body,
        out_type=(),
        mesh=plsc.VectorSubcoreMesh(
            core_axis_name="c", subcore_axis_name="s",
            num_cores=NC, num_subcores=NS,
        ),
        scratch_types=[
            pltpu.VMEM((CHUNK // 2,), jnp.int32),
            pltpu.VMEM((CHUNK // 2,), jnp.int32),
            pltpu.VMEM((CHUNK, D), jnp.float32),
            pltpu.SemaphoreType.DMA,
            pltpu.SemaphoreType.DMA,
        ],
        compiler_params=pltpu.CompilerParams(needs_layout_passes=False),
        name="tracklet_row_scatter",
    )


def _make_tc_copy(M, D, blocks):
    BM = M // blocks

    def body(src_ref, dst_ref):
        dst_ref[...] = src_ref[...]

    return pl.pallas_call(
        body,
        grid=(blocks,),
        in_specs=[pl.BlockSpec((BM, D), lambda i: (i, 0))],
        out_specs=pl.BlockSpec((BM, D), lambda i: (i, 0)),
        out_shape=jax.ShapeDtypeStruct((M, D), jnp.float32),
        name="tracklet_mem_copy",
    )


def kernel(mem, val, frame_state, idx, frame):
    M, D = mem.shape
    B = idx.shape[0]
    frame_arr = jnp.full((L,), frame, dtype=jnp.int32)
    fs_ref = jax.new_ref(frame_state)
    ids, obs = _make_phase_a(M, D, B)(fs_ref, val, idx, frame_arr)
    mem_ref = jax.new_ref(_make_tc_copy(M, D, 25)(mem))
    _make_phase_b(M, D, B)(mem_ref, obs, idx)
    return mem_ref[...], fs_ref[...], ids, obs

# --- scband reference (transcript-rebuilt; emitter-appended) ---
"""Pipeline reference for scband-tracklet-memory-23046794510502 (READ-ONLY COPY).

The authoritative reference and input builder live on the scoring server;
editing this copy changes nothing except your own understanding.
"""

import jax, jax.numpy as jnp
import numpy as np


def setup_inputs(seed: int = 0) -> dict:
    key = jax.random.key(seed)
    k1, k2, k3 = jax.random.split(key, 3)
    M, D, B = 100000, 128, 16384
    mem = jax.random.normal(k1, (M, D), dtype=jnp.float32)
    val = jax.random.normal(k2, (B, D), dtype=jnp.float32)
    frame_state = jnp.zeros((M,), dtype=jnp.int32)
    idx = jax.random.randint(k3, (B,), 0, M)
    frame = 100
    return {"mem": mem, "val": val, "frame_state": frame_state, "idx": idx, "frame": frame}


def reference(mem, val, frame_state, idx, frame):
    # TrackletMemory.write: scatter updated observations into per-tracklet
    # state memory (ValueState.update semantics == scatter-overwrite),
    # stamp KEY_FRAME for each written tracklet, and return assigned IDs.
    mem_new = mem.at[idx].set(val)
    frame_new = frame_state.at[idx].set(jnp.int32(frame))
    # ids[obs.index] = obs.id ; with index == arange(B) the assigned ids are idx
    B = idx.shape[0]
    ids = jnp.full((B,), -1, dtype=idx.dtype).at[jnp.arange(B)].set(idx)
    # read-back (TrackletMemory.read): gather evolved states at frame delta
    fps = 15.0
    delta = jnp.asarray(frame, dtype=jnp.float32) / fps
    obs = jnp.take(mem_new, idx, axis=0)
    obs = obs * jnp.exp(-0.0 * delta)  # ValueState.evolve is identity in time
    return mem_new, frame_new, ids, obs

if __name__ == "__main__":
    import jax
    _d = setup_inputs()
    print(jax.jit(kernel)(*tuple(_d.values())))

</pallas_src>

<mosaic_0001>
#map = affine_map<(d0, d1) -> (0)>
#map1 = affine_map<(d0, d1) -> (0, 0)>
module attributes {stable_mosaic.version = 14 : i64} {
  func.func @new_body(%arg0: i32, %arg1: i32, %arg2: memref<100000xi32, #tpu.memory_space<hbm>>, %arg3: memref<16384x128xf32, #tpu.memory_space<hbm>>, %arg4: memref<16384xi32, #tpu.memory_space<hbm>>, %arg5: memref<16xi32, #tpu.memory_space<hbm>>, %arg6: memref<16384xi32, #tpu.memory_space<hbm>>, %arg7: memref<16384x128xf32, #tpu.memory_space<hbm>>, %arg8: memref<100000xi32, #tpu.memory_space<hbm>>, %arg9: memref<1024xi32, #tpu.memory_space<vmem>>, %arg10: memref<512xi32, #tpu.memory_space<vmem>>, %arg11: memref<16384xi32, #tpu.memory_space<vmem>>, %arg12: memref<16xi32, #tpu.memory_space<vmem>>, %arg13: memref<6256xi32, #tpu.memory_space<vmem>>, %arg14: memref<512xi32, #tpu.memory_space<vmem>>, %arg15: memref<512x128xf32, #tpu.memory_space<vmem>>, %arg16: memref<512xi32, #tpu.memory_space<vmem>>, %arg17: memref<16xi32, #tpu.memory_space<vmem>>, %arg18: memref<100096xi32, #tpu.memory_space<vmem_shared>>, %arg19: memref<16384xi32, #tpu.memory_space<vmem_shared>>, %arg20: memref<!tpu.dma_semaphore, #tpu.memory_space<semaphore_mem>>, %arg21: memref<!tpu.dma_semaphore, #tpu.memory_space<semaphore_mem>>, %arg22: memref<!tpu.dma_semaphore, #tpu.memory_space<semaphore_mem>>) attributes {dimension_semantics = [#tpu.dimension_semantics<core_parallel>, #tpu.dimension_semantics<subcore_parallel>], iteration_bounds = array<i64: 2, 16>, scalar_prefetch = 0 : i64, scratch_operands = 14 : i64, tpu.core_type = #tpu.core_type<sc_vector_subcore>, window_params = [{transform_indices = #map}, {transform_indices = #map1}, {transform_indices = #map}, {transform_indices = #map}, {transform_indices = #map}, {transform_indices = #map1}, {transform_indices = #map}]} {
    %mul3A = arith.constant 16 : i32
    %mul3A_0 = arith.muli %arg0, %mul3A : i32
    %add3A = arith.addi %mul3A_0, %arg1 : i32
    %mul3A_1 = arith.constant 64 : i32
    %mul3A_2 = arith.muli %arg1, %mul3A_1 : i32
    %mul3A_3 = arith.constant 16 : i32
    %mul3A_4 = arith.muli %mul3A_2, %mul3A_3 : i32
    "tpu.region"() ({
      %run_scoped3A = tpu.sem_alloc : memref<!tpu.dma_semaphore, #tpu.memory_space<semaphore_mem>>
      %dma_start3A_124 = tpu.memref_slice %arg4[%mul3A_4] : memref<16384xi32, #tpu.memory_space<hbm>> -> memref<1024xi32, #tpu.memory_space<hbm>>
      %dma_start3A_125 = tpu.memref_slice %arg4[%mul3A_4] : memref<16384xi32, #tpu.memory_space<hbm>> -> memref<1024xi32, #tpu.memory_space<hbm>>
      tpu.enqueue_dma source(%dma_start3A_125 : memref<1024xi32, #tpu.memory_space<hbm>>) target(%arg9 : memref<1024xi32, #tpu.memory_space<vmem>>) target_semaphore(%run_scoped3A : memref<!tpu.dma_semaphore, #tpu.memory_space<semaphore_mem>>)
      %dma_wait3A_126 = tpu.memref_slice %arg4[%mul3A_4] : memref<16384xi32, #tpu.memory_space<hbm>> -> memref<1024xi32, #tpu.memory_space<hbm>>
      %dma_wait3A_127 = tpu.memref_slice %arg4[%mul3A_4] : memref<16384xi32, #tpu.memory_space<hbm>> -> memref<1024xi32, #tpu.memory_space<hbm>>
      tpu.wait_dma2 semaphore(%run_scoped3A : memref<!tpu.dma_semaphore, #tpu.memory_space<semaphore_mem>>) src(%dma_wait3A_127 : memref<1024xi32, #tpu.memory_space<hbm>>) dst(%arg9 : memref<1024xi32, #tpu.memory_space<vmem>>)
      tpu.yield
    }) : () -> ()
    %mul3A_5 = arith.constant 512 : i32
    %mul3A_6 = arith.muli %add3A, %mul3A_5 : i32
    "tpu.region"() ({
      %run_scoped3A = tpu.sem_alloc : memref<!tpu.dma_semaphore, #tpu.memory_space<semaphore_mem>>
      %dma_start3A_124 = tpu.memref_slice %arg4[%mul3A_6] : memref<16384xi32, #tpu.memory_space<hbm>> -> memref<512xi32, #tpu.memory_space<hbm>>
      %dma_start3A_125 = tpu.memref_slice %arg4[%mul3A_6] : memref<16384xi32, #tpu.memory_space<hbm>> -> memref<512xi32, #tpu.memory_space<hbm>>
      tpu.enqueue_dma source(%dma_start3A_125 : memref<512xi32, #tpu.memory_space<hbm>>) target(%arg10 : memref<512xi32, #tpu.memory_space<vmem>>) target_semaphore(%run_scoped3A : memref<!tpu.dma_semaphore, #tpu.memory_space<semaphore_mem>>)
      %dma_wait3A_126 = tpu.memref_slice %arg4[%mul3A_6] : memref<16384xi32, #tpu.memory_space<hbm>> -> memref<512xi32, #tpu.memory_space<hbm>>
      %dma_wait3A_127 = tpu.memref_slice %arg4[%mul3A_6] : memref<16384xi32, #tpu.memory_space<hbm>> -> memref<512xi32, #tpu.memory_space<hbm>>
      tpu.wait_dma2 semaphore(%run_scoped3A : memref<!tpu.dma_semaphore, #tpu.memory_space<semaphore_mem>>) src(%dma_wait3A_127 : memref<512xi32, #tpu.memory_space<hbm>>) dst(%arg10 : memref<512xi32, #tpu.memory_space<vmem>>)
      tpu.yield
    }) : () -> ()
    "tpu.region"() ({
      %run_scoped3A = tpu.sem_alloc : memref<!tpu.dma_semaphore, #tpu.memory_space<semaphore_mem>>
      tpu.enqueue_dma source(%arg5 : memref<16xi32, #tpu.memory_space<hbm>>) target(%arg17 : memref<16xi32, #tpu.memory_space<vmem>>) target_semaphore(%run_scoped3A : memref<!tpu.dma_semaphore, #tpu.memory_space<semaphore_mem>>)
      tpu.wait_dma2 semaphore(%run_scoped3A : memref<!tpu.dma_semaphore, #tpu.memory_space<semaphore_mem>>) src(%arg5 : memref<16xi32, #tpu.memory_space<hbm>>) dst(%arg17 : memref<16xi32, #tpu.memory_space<vmem>>)
      tpu.yield
    }) : () -> ()
    %get3A = arith.constant 0 : index
    %get3A_7 = tpu.vector_load %arg17[%get3A] {strides = array<i32>} : memref<16xi32, #tpu.memory_space<vmem>>, vector<16xi32>,
    %scan3A = arith.constant 0 : i32
    %scan3A_8 = arith.constant 32 : i32
    %scan3A_9 = arith.addi %scan3A, %scan3A_8 : i32
    %scan3A_10 = arith.constant 1 : i32
    scf.for %scan3A_124 = %scan3A to %scan3A_9 step %scan3A_10  : i32 {
      %mul3A_125 = arith.constant 1 : i32
      %mul3A_126 = arith.muli %scan3A_124, %mul3A_125 : i32
      %add3A_127 = arith.constant 0 : i32
      %add3A_128 = arith.addi %add3A_127, %mul3A_126 : i32
      %mul3A_129 = arith.constant 16 : i32
      %mul3A_130 = arith.muli %add3A_128, %mul3A_129 : i32
      %swap3A = arith.index_cast %mul3A_130 : i32 to index
      %swap3A_131 = tpu.vector_load %arg16[%swap3A] {strides = array<i32>} : memref<512xi32, #tpu.memory_space<vmem>>, vector<16xi32>,
      tpu.vector_store %arg16[%swap3A], %get3A_7 {strides = array<i32>} : memref<512xi32, #tpu.memory_space<vmem>>, vector<16xi32>,
    }
    %scan3A_11 = arith.constant 32 : i32
    %mul3A_12 = arith.constant 512 : i32
    %mul3A_13 = arith.muli %add3A, %mul3A_12 : i32
    %dma_start3A = tpu.memref_slice %arg6[%mul3A_13] : memref<16384xi32, #tpu.memory_space<hbm>> -> memref<512xi32, #tpu.memory_space<hbm>>
    %dma_start3A_14 = tpu.memref_slice %arg6[%mul3A_13] : memref<16384xi32, #tpu.memory_space<hbm>> -> memref<512xi32, #tpu.memory_space<hbm>>
    tpu.enqueue_dma source(%arg10 : memref<512xi32, #tpu.memory_space<vmem>>) target(%dma_start3A_14 : memref<512xi32, #tpu.memory_space<hbm>>) target_semaphore(%arg22 : memref<!tpu.dma_semaphore, #tpu.memory_space<semaphore_mem>>)
    %dma_start3A_15 = arith.constant 0 : i32
    %dma_start3A_16 = tpu.memref_slice %arg2[%dma_start3A_15] : memref<100000xi32, #tpu.memory_space<hbm>> -> memref<100000xi32, #tpu.memory_space<hbm>>
    tpu.enqueue_indirect_dma source(%arg16 : memref<512xi32, #tpu.memory_space<vmem>>) target(%dma_start3A_16 : memref<100000xi32, #tpu.memory_space<hbm>>) offsets(%arg10 : memref<512xi32, #tpu.memory_space<vmem>>) semaphore(%arg22 : memref<!tpu.dma_semaphore, #tpu.memory_space<semaphore_mem>>)
    %mul3A_17 = arith.constant 6256 : i32
    %mul3A_18 = arith.muli %arg1, %mul3A_17 : i32
    %iota3A = tpu.iota {dimensions = array<i32: 0>} : vector<16xi32>
    %add3A_19 = arith.constant 15 : i32
    %add3A_20 = vector.broadcast %add3A_19 : i32 to vector<16xi32>
    %add3A_21 = arith.addi %iota3A, %add3A_20 : vector<16xi32>
    %and3A = arith.constant 15 : i32
    %and3A_22 = vector.broadcast %and3A : i32 to vector<16xi32>
    %and3A_23 = arith.andi %add3A_21, %and3A_22 : vector<16xi32>
    %eq3A = arith.constant 15 : i32
    %eq3A_24 = vector.broadcast %eq3A : i32 to vector<16xi32>
    %eq3A_25 = arith.cmpi eq, %iota3A, %eq3A_24 : vector<16xi32>
    %scan3A_26 = arith.constant 0 : i32
    %scan3A_27 = arith.constant 64 : i32
    %scan3A_28 = arith.addi %scan3A_26, %scan3A_27 : i32
    %scan3A_29 = arith.constant 4 : i32
    scf.for %scan3A_124 = %scan3A_26 to %scan3A_28 step %scan3A_29  : i32 {
      %mul3A_125 = arith.constant 1 : i32
      %mul3A_126 = arith.muli %scan3A_124, %mul3A_125 : i32
      %add3A_127 = arith.constant 0 : i32
      %add3A_128 = arith.addi %add3A_127, %mul3A_126 : i32
      %mul3A_129 = arith.constant 16 : i32
      %mul3A_130 = arith.muli %add3A_128, %mul3A_129 : i32
      %get3A_131 = arith.index_cast %mul3A_130 : i32 to index
      %get3A_132 = tpu.vector_load %arg9[%get3A_131] {strides = array<i32>} : memref<1024xi32, #tpu.memory_space<vmem>>, vector<16xi32>,
      %shift_left3A = arith.constant 4 : i32
      %shift_left3A_133 = vector.broadcast %shift_left3A : i32 to vector<16xi32>
      %shift_left3A_134 = arith.shli %get3A_132, %shift_left3A_133 : vector<16xi32>
      %or3A = arith.ori %shift_left3A_134, %iota3A : vector<16xi32>
      %sort3A = arith.constant dense<true> : vector<16xi1>
      %sort3A_135, %sort3A_136, %sort3A_137 = tpu.sort %or3A, %or3A masked %sort3A : (vector<16xi32>, vector<16xi32>, vector<16xi1>) -> (vector<16xi1>, vector<16xi32>, vector<16xi32>)
      %masked_sort3A = arith.constant dense<true> : vector<16xi1>
      %masked_sort3A_138 = arith.constant -2147483648 : i32
      %masked_sort3A_139 = vector.broadcast %masked_sort3A_138 : i32 to vector<16xi32>
      %masked_sort3A_140 = arith.xori %and3A_23, %masked_sort3A_139 : vector<16xi32>
      %masked_sort3A_141, %masked_sort3A_142, %masked_sort3A_143 = tpu.sort %masked_sort3A_140, %sort3A_136 masked %masked_sort3A : (vector<16xi32>, vector<16xi32>, vector<16xi1>) -> (vector<16xi1>, vector<16xi32>, vector<16xi32>)
      %masked_sort3A_144 = arith.xori %masked_sort3A_142, %masked_sort3A_139 : vector<16xi32>
      %shift_right_arithmetic3A = arith.constant 4 : i32
      %shift_right_arithmetic3A_145 = vector.broadcast %shift_right_arithmetic3A : i32 to vector<16xi32>
      %shift_right_arithmetic3A_146 = arith.shrsi %sort3A_136, %shift_right_arithmetic3A_145 : vector<16xi32>
      %shift_right_arithmetic3A_147 = arith.constant 4 : i32
      %shift_right_arithmetic3A_148 = vector.broadcast %shift_right_arithmetic3A_147 : i32 to vector<16xi32>
      %shift_right_arithmetic3A_149 = arith.shrsi %masked_sort3A_143, %shift_right_arithmetic3A_148 : vector<16xi32>
      %ne3A = arith.cmpi ne, %shift_right_arithmetic3A_146, %shift_right_arithmetic3A_149 : vector<16xi32>
      %or3A_150 = arith.ori %ne3A, %eq3A_25 : vector<16xi1>
      %and3A_151 = arith.constant 15 : i32
      %and3A_152 = vector.broadcast %and3A_151 : i32 to vector<16xi32>
      %and3A_153 = arith.andi %sort3A_136, %and3A_152 : vector<16xi32>
      %jit3A = arith.constant 1 : i32
      %jit3A_154 = arith.constant 0 : i32
      %broadcast_in_dim3A = vector.broadcast %jit3A : i32 to vector<16xi32>
      %broadcast_in_dim3A_155 = vector.broadcast %jit3A_154 : i32 to vector<16xi32>
      %select_n3A = arith.select %or3A_150, %broadcast_in_dim3A, %broadcast_in_dim3A_155 : vector<16xi1>, vector<16xi32>
      tpu.vector_store_idx %arg12[%and3A_153], %select_n3A : memref<16xi32, #tpu.memory_space<vmem>>[vector<16xi32>], vector<16xi32>,
      %get3A_156 = arith.constant 0 : index
      %get3A_157 = tpu.vector_load %arg12[%get3A_156] {strides = array<i32>} : memref<16xi32, #tpu.memory_space<vmem>>, vector<16xi32>,
      %ne3A_158 = arith.constant 0 : i32
      %ne3A_159 = vector.broadcast %ne3A_158 : i32 to vector<16xi32>
      %ne3A_160 = arith.cmpi ne, %get3A_157, %ne3A_159 : vector<16xi32>
      %jit3A_161 = arith.constant 1073741824 : i32
      %broadcast_in_dim3A_162 = vector.broadcast %jit3A_161 : i32 to vector<16xi32>
      %select_n3A_163 = arith.select %ne3A_160, %get3A_132, %broadcast_in_dim3A_162 : vector<16xi1>, vector<16xi32>
      %mul3A_164 = arith.constant 16 : i32
      %mul3A_165 = arith.muli %add3A_128, %mul3A_164 : i32
      %add3A_166 = arith.addi %mul3A_4, %mul3A_165 : i32
      %swap3A = arith.index_cast %add3A_166 : i32 to index
      %swap3A_167 = tpu.vector_load %arg11[%swap3A] {strides = array<i32>} : memref<16384xi32, #tpu.memory_space<vmem>>, vector<16xi32>,
      tpu.vector_store %arg11[%swap3A], %select_n3A_163 {strides = array<i32>} : memref<16384xi32, #tpu.memory_space<vmem>>, vector<16xi32>,
      %scan3A_168 = arith.constant 1 : i32
      %scan3A_169 = arith.addi %scan3A_124, %scan3A_168 : i32
      %mul3A_170 = arith.constant 1 : i32
      %mul3A_171 = arith.muli %scan3A_169, %mul3A_170 : i32
      %add3A_172 = arith.constant 0 : i32
      %add3A_173 = arith.addi %add3A_172, %mul3A_171 : i32
      %mul3A_174 = arith.constant 16 : i32
      %mul3A_175 = arith.muli %add3A_173, %mul3A_174 : i32
      %get3A_176 = arith.index_cast %mul3A_175 : i32 to index
      %get3A_177 = tpu.vector_load %arg9[%get3A_176] {strides = array<i32>} : memref<1024xi32, #tpu.memory_space<vmem>>, vector<16xi32>,
      %shift_left3A_178 = arith.constant 4 : i32
      %shift_left3A_179 = vector.broadcast %shift_left3A_178 : i32 to vector<16xi32>
      %shift_left3A_180 = arith.shli %get3A_177, %shift_left3A_179 : vector<16xi32>
      %or3A_181 = arith.ori %shift_left3A_180, %iota3A : vector<16xi32>
      %sort3A_182 = arith.constant dense<true> : vector<16xi1>
      %sort3A_183, %sort3A_184, %sort3A_185 = tpu.sort %or3A_181, %or3A_181 masked %sort3A_182 : (vector<16xi32>, vector<16xi32>, vector<16xi1>) -> (vector<16xi1>, vector<16xi32>, vector<16xi32>)
      %masked_sort3A_186 = arith.constant dense<true> : vector<16xi1>
      %masked_sort3A_187 = arith.constant -2147483648 : i32
      %masked_sort3A_188 = vector.broadcast %masked_sort3A_187 : i32 to vector<16xi32>
      %masked_sort3A_189 = arith.xori %and3A_23, %masked_sort3A_188 : vector<16xi32>
      %masked_sort3A_190, %masked_sort3A_191, %masked_sort3A_192 = tpu.sort %masked_sort3A_189, %sort3A_184 masked %masked_sort3A_186 : (vector<16xi32>, vector<16xi32>, vector<16xi1>) -> (vector<16xi1>, vector<16xi32>, vector<16xi32>)
      %masked_sort3A_193 = arith.xori %masked_sort3A_191, %masked_sort3A_188 : vector<16xi32>
      %shift_right_arithmetic3A_194 = arith.constant 4 : i32
      %shift_right_arithmetic3A_195 = vector.broadcast %shift_right_arithmetic3A_194 : i32 to vector<16xi32>
      %shift_right_arithmetic3A_196 = arith.shrsi %sort3A_184, %shift_right_arithmetic3A_195 : vector<16xi32>
      %shift_right_arithmetic3A_197 = arith.constant 4 : i32
      %shift_right_arithmetic3A_198 = vector.broadcast %shift_right_arithmetic3A_197 : i32 to vector<16xi32>
      %shift_right_arithmetic3A_199 = arith.shrsi %masked_sort3A_192, %shift_right_arithmetic3A_198 : vector<16xi32>
      %ne3A_200 = arith.cmpi ne, %shift_right_arithmetic3A_196, %shift_right_arithmetic3A_199 : vector<16xi32>
      %or3A_201 = arith.ori %ne3A_200, %eq3A_25 : vector<16xi1>
      %and3A_202 = arith.constant 15 : i32
      %and3A_203 = vector.broadcast %and3A_202 : i32 to vector<16xi32>
      %and3A_204 = arith.andi %sort3A_184, %and3A_203 : vector<16xi32>
      %jit3A_205 = arith.constant 1 : i32
      %jit3A_206 = arith.constant 0 : i32
      %broadcast_in_dim3A_207 = vector.broadcast %jit3A_205 : i32 to vector<16xi32>
      %broadcast_in_dim3A_208 = vector.broadcast %jit3A_206 : i32 to vector<16xi32>
      %select_n3A_209 = arith.select %or3A_201, %broadcast_in_dim3A_207, %broadcast_in_dim3A_208 : vector<16xi1>, vector<16xi32>
      tpu.vector_store_idx %arg12[%and3A_204], %select_n3A_209 : memref<16xi32, #tpu.memory_space<vmem>>[vector<16xi32>], vector<16xi32>,
      %get3A_210 = arith.constant 0 : index
      %get3A_211 = tpu.vector_load %arg12[%get3A_210] {strides = array<i32>} : memref<16xi32, #tpu.memory_space<vmem>>, vector<16xi32>,
      %ne3A_212 = arith.constant 0 : i32
      %ne3A_213 = vector.broadcast %ne3A_212 : i32 to vector<16xi32>
      %ne3A_214 = arith.cmpi ne, %get3A_211, %ne3A_213 : vector<16xi32>
      %jit3A_215 = arith.constant 1073741824 : i32
      %broadcast_in_dim3A_216 = vector.broadcast %jit3A_215 : i32 to vector<16xi32>
      %select_n3A_217 = arith.select %ne3A_214, %get3A_177, %broadcast_in_dim3A_216 : vector<16xi1>, vector<16xi32>
      %mul3A_218 = arith.constant 16 : i32
      %mul3A_219 = arith.muli %add3A_173, %mul3A_218 : i32
      %add3A_220 = arith.addi %mul3A_4, %mul3A_219 : i32
      %swap3A_221 = arith.index_cast %add3A_220 : i32 to index
      %swap3A_222 = tpu.vector_load %arg11[%swap3A_221] {strides = array<i32>} : memref<16384xi32, #tpu.memory_space<vmem>>, vector<16xi32>,
      tpu.vector_store %arg11[%swap3A_221], %select_n3A_217 {strides = array<i32>} : memref<16384xi32, #tpu.memory_space<vmem>>, vector<16xi32>,
      %scan3A_223 = arith.constant 2 : i32
      %scan3A_224 = arith.addi %scan3A_124, %scan3A_223 : i32
      %mul3A_225 = arith.constant 1 : i32
      %mul3A_226 = arith.muli %scan3A_224, %mul3A_225 : i32
      %add3A_227 = arith.constant 0 : i32
      %add3A_228 = arith.addi %add3A_227, %mul3A_226 : i32
      %mul3A_229 = arith.constant 16 : i32
      %mul3A_230 = arith.muli %add3A_228, %mul3A_229 : i32
      %get3A_231 = arith.index_cast %mul3A_230 : i32 to index
      %get3A_232 = tpu.vector_load %arg9[%get3A_231] {strides = array<i32>} : memref<1024xi32, #tpu.memory_space<vmem>>, vector<16xi32>,
      %shift_left3A_233 = arith.constant 4 : i32
      %shift_left3A_234 = vector.broadcast %shift_left3A_233 : i32 to vector<16xi32>
      %shift_left3A_235 = arith.shli %get3A_232, %shift_left3A_234 : vector<16xi32>
      %or3A_236 = arith.ori %shift_left3A_235, %iota3A : vector<16xi32>
      %sort3A_237 = arith.constant dense<true> : vector<16xi1>
      %sort3A_238, %sort3A_239, %sort3A_240 = tpu.sort %or3A_236, %or3A_236 masked %sort3A_237 : (vector<16xi32>, vector<16xi32>, vector<16xi1>) -> (vector<16xi1>, vector<16xi32>, vector<16xi32>)
      %masked_sort3A_241 = arith.constant dense<true> : vector<16xi1>
      %masked_sort3A_242 = arith.constant -2147483648 : i32
      %masked_sort3A_243 = vector.broadcast %masked_sort3A_242 : i32 to vector<16xi32>
      %masked_sort3A_244 = arith.xori %and3A_23, %masked_sort3A_243 : vector<16xi32>
      %masked_sort3A_245, %masked_sort3A_246, %masked_sort3A_247 = tpu.sort %masked_sort3A_244, %sort3A_239 masked %masked_sort3A_241 : (vector<16xi32>, vector<16xi32>, vector<16xi1>) -> (vector<16xi1>, vector<16xi32>, vector<16xi32>)
      %masked_sort3A_248 = arith.xori %masked_sort3A_246, %masked_sort3A_243 : vector<16xi32>
      %shift_right_arithmetic3A_249 = arith.constant 4 : i32
      %shift_right_arithmetic3A_250 = vector.broadcast %shift_right_arithmetic3A_249 : i32 to vector<16xi32>
      %shift_right_arithmetic3A_251 = arith.shrsi %sort3A_239, %shift_right_arithmetic3A_250 : vector<16xi32>
      %shift_right_arithmetic3A_252 = arith.constant 4 : i32
      %shift_right_arithmetic3A_253 = vector.broadcast %shift_right_arithmetic3A_252 : i32 to vector<16xi32>
      %shift_right_arithmetic3A_254 = arith.shrsi %masked_sort3A_247, %shift_right_arithmetic3A_253 : vector<16xi32>
      %ne3A_255 = arith.cmpi ne, %shift_right_arithmetic3A_251, %shift_right_arithmetic3A_254 : vector<16xi32>
      %or3A_256 = arith.ori %ne3A_255, %eq3A_25 : vector<16xi1>
      %and3A_257 = arith.constant 15 : i32
      %and3A_258 = vector.broadcast %and3A_257 : i32 to vector<16xi32>
      %and3A_259 = arith.andi %sort3A_239, %and3A_258 : vector<16xi32>
      %jit3A_260 = arith.constant 1 : i32
      %jit3A_261 = arith.constant 0 : i32
      %broadcast_in_dim3A_262 = vector.broadcast %jit3A_260 : i32 to vector<16xi32>
      %broadcast_in_dim3A_263 = vector.broadcast %jit3A_261 : i32 to vector<16xi32>
      %select_n3A_264 = arith.select %or3A_256, %broadcast_in_dim3A_262, %broadcast_in_dim3A_263 : vector<16xi1>, vector<16xi32>
      tpu.vector_store_idx %arg12[%and3A_259], %select_n3A_264 : memref<16xi32, #tpu.memory_space<vmem>>[vector<16xi32>], vector<16xi32>,
      %get3A_265 = arith.constant 0 : index
      %get3A_266 = tpu.vector_load %arg12[%get3A_265] {strides = array<i32>} : memref<16xi32, #tpu.memory_space<vmem>>, vector<16xi32>,
      %ne3A_267 = arith.constant 0 : i32
      %ne3A_268 = vector.broadcast %ne3A_267 : i32 to vector<16xi32>
      %ne3A_269 = arith.cmpi ne, %get3A_266, %ne3A_268 : vector<16xi32>
      %jit3A_270 = arith.constant 1073741824 : i32
      %broadcast_in_dim3A_271 = vector.broadcast %jit3A_270 : i32 to vector<16xi32>
      %select_n3A_272 = arith.select %ne3A_269, %get3A_232, %broadcast_in_dim3A_271 : vector<16xi1>, vector<16xi32>
      %mul3A_273 = arith.constant 16 : i32
      %mul3A_274 = arith.muli %add3A_228, %mul3A_273 : i32
      %add3A_275 = arith.addi %mul3A_4, %mul3A_274 : i32
      %swap3A_276 = arith.index_cast %add3A_275 : i32 to index
      %swap3A_277 = tpu.vector_load %arg11[%swap3A_276] {strides = array<i32>} : memref<16384xi32, #tpu.memory_space<vmem>>, vector<16xi32>,
      tpu.vector_store %arg11[%swap3A_276], %select_n3A_272 {strides = array<i32>} : memref<16384xi32, #tpu.memory_space<vmem>>, vector<16xi32>,
      %scan3A_278 = arith.constant 3 : i32
      %scan3A_279 = arith.addi %scan3A_124, %scan3A_278 : i32
      %mul3A_280 = arith.constant 1 : i32
      %mul3A_281 = arith.muli %scan3A_279, %mul3A_280 : i32
      %add3A_282 = arith.constant 0 : i32
      %add3A_283 = arith.addi %add3A_282, %mul3A_281 : i32
      %mul3A_284 = arith.constant 16 : i32
      %mul3A_285 = arith.muli %add3A_283, %mul3A_284 : i32
      %get3A_286 = arith.index_cast %mul3A_285 : i32 to index
      %get3A_287 = tpu.vector_load %arg9[%get3A_286] {strides = array<i32>} : memref<1024xi32, #tpu.memory_space<vmem>>, vector<16xi32>,
      %shift_left3A_288 = arith.constant 4 : i32
      %shift_left3A_289 = vector.broadcast %shift_left3A_288 : i32 to vector<16xi32>
      %shift_left3A_290 = arith.shli %get3A_287, %shift_left3A_289 : vector<16xi32>
      %or3A_291 = arith.ori %shift_left3A_290, %iota3A : vector<16xi32>
      %sort3A_292 = arith.constant dense<true> : vector<16xi1>
      %sort3A_293, %sort3A_294, %sort3A_295 = tpu.sort %or3A_291, %or3A_291 masked %sort3A_292 : (vector<16xi32>, vector<16xi32>, vector<16xi1>) -> (vector<16xi1>, vector<16xi32>, vector<16xi32>)
      %masked_sort3A_296 = arith.constant dense<true> : vector<16xi1>
      %masked_sort3A_297 = arith.constant -2147483648 : i32
      %masked_sort3A_298 = vector.broadcast %masked_sort3A_297 : i32 to vector<16xi32>
      %masked_sort3A_299 = arith.xori %and3A_23, %masked_sort3A_298 : vector<16xi32>
      %masked_sort3A_300, %masked_sort3A_301, %masked_sort3A_302 = tpu.sort %masked_sort3A_299, %sort3A_294 masked %masked_sort3A_296 : (vector<16xi32>, vector<16xi32>, vector<16xi1>) -> (vector<16xi1>, vector<16xi32>, vector<16xi32>)
      %masked_sort3A_303 = arith.xori %masked_sort3A_301, %masked_sort3A_298 : vector<16xi32>
      %shift_right_arithmetic3A_304 = arith.constant 4 : i32
      %shift_right_arithmetic3A_305 = vector.broadcast %shift_right_arithmetic3A_304 : i32 to vector<16xi32>
      %shift_right_arithmetic3A_306 = arith.shrsi %sort3A_294, %shift_right_arithmetic3A_305 : vector<16xi32>
      %shift_right_arithmetic3A_307 = arith.constant 4 : i32
      %shift_right_arithmetic3A_308 = vector.broadcast %shift_right_arithmetic3A_307 : i32 to vector<16xi32>
      %shift_right_arithmetic3A_309 = arith.shrsi %masked_sort3A_302, %shift_right_arithmetic3A_308 : vector<16xi32>
      %ne3A_310 = arith.cmpi ne, %shift_right_arithmetic3A_306, %shift_right_arithmetic3A_309 : vector<16xi32>
      %or3A_311 = arith.ori %ne3A_310, %eq3A_25 : vector<16xi1>
      %and3A_312 = arith.constant 15 : i32
      %and3A_313 = vector.broadcast %and3A_312 : i32 to vector<16xi32>
      %and3A_314 = arith.andi %sort3A_294, %and3A_313 : vector<16xi32>
      %jit3A_315 = arith.constant 1 : i32
      %jit3A_316 = arith.constant 0 : i32
      %broadcast_in_dim3A_317 = vector.broadcast %jit3A_315 : i32 to vector<16xi32>
      %broadcast_in_dim3A_318 = vector.broadcast %jit3A_316 : i32 to vector<16xi32>
      %select_n3A_319 = arith.select %or3A_311, %broadcast_in_dim3A_317, %broadcast_in_dim3A_318 : vector<16xi1>, vector<16xi32>
      tpu.vector_store_idx %arg12[%and3A_314], %select_n3A_319 : memref<16xi32, #tpu.memory_space<vmem>>[vector<16xi32>], vector<16xi32>,
      %get3A_320 = arith.constant 0 : index
      %get3A_321 = tpu.vector_load %arg12[%get3A_320] {strides = array<i32>} : memref<16xi32, #tpu.memory_space<vmem>>, vector<16xi32>,
      %ne3A_322 = arith.constant 0 : i32
      %ne3A_323 = vector.broadcast %ne3A_322 : i32 to vector<16xi32>
      %ne3A_324 = arith.cmpi ne, %get3A_321, %ne3A_323 : vector<16xi32>
      %jit3A_325 = arith.constant 1073741824 : i32
      %broadcast_in_dim3A_326 = vector.broadcast %jit3A_325 : i32 to vector<16xi32>
      %select_n3A_327 = arith.select %ne3A_324, %get3A_287, %broadcast_in_dim3A_326 : vector<16xi1>, vector<16xi32>
      %mul3A_328 = arith.constant 16 : i32
      %mul3A_329 = arith.muli %add3A_283, %mul3A_328 : i32
      %add3A_330 = arith.addi %mul3A_4, %mul3A_329 : i32
      %swap3A_331 = arith.index_cast %add3A_330 : i32 to index
      %swap3A_332 = tpu.vector_load %arg11[%swap3A_331] {strides = array<i32>} : memref<16384xi32, #tpu.memory_space<vmem>>, vector<16xi32>,
      tpu.vector_store %arg11[%swap3A_331], %select_n3A_327 {strides = array<i32>} : memref<16384xi32, #tpu.memory_space<vmem>>, vector<16xi32>,
    }
    %scan3A_30 = arith.constant 64 : i32
    "tpu.region"() ({
      %run_scoped3A = tpu.sem_alloc : memref<!tpu.dma_semaphore, #tpu.memory_space<semaphore_mem>>
      %dma_start3A_124 = tpu.memref_slice %arg11[%mul3A_4] : memref<16384xi32, #tpu.memory_space<vmem>> -> memref<1024xi32, #tpu.memory_space<vmem>>
      %dma_start3A_125 = tpu.memref_slice %arg19[%mul3A_4] : memref<16384xi32, #tpu.memory_space<vmem_shared>> -> memref<1024xi32, #tpu.memory_space<vmem_shared>>
      %dma_start3A_126 = tpu.memref_slice %arg19[%mul3A_4] : memref<16384xi32, #tpu.memory_space<vmem_shared>> -> memref<1024xi32, #tpu.memory_space<vmem_shared>>
      %dma_start3A_127 = tpu.memref_slice %arg11[%mul3A_4] : memref<16384xi32, #tpu.memory_space<vmem>> -> memref<1024xi32, #tpu.memory_space<vmem>>
      tpu.enqueue_dma source(%dma_start3A_127 : memref<1024xi32, #tpu.memory_space<vmem>>) target(%dma_start3A_126 : memref<1024xi32, #tpu.memory_space<vmem_shared>>) target_semaphore(%run_scoped3A : memref<!tpu.dma_semaphore, #tpu.memory_space<semaphore_mem>>)
      %dma_wait3A_128 = tpu.memref_slice %arg11[%mul3A_4] : memref<16384xi32, #tpu.memory_space<vmem>> -> memref<1024xi32, #tpu.memory_space<vmem>>
      %dma_wait3A_129 = tpu.memref_slice %arg19[%mul3A_4] : memref<16384xi32, #tpu.memory_space<vmem_shared>> -> memref<1024xi32, #tpu.memory_space<vmem_shared>>
      %dma_wait3A_130 = tpu.memref_slice %arg19[%mul3A_4] : memref<16384xi32, #tpu.memory_space<vmem_shared>> -> memref<1024xi32, #tpu.memory_space<vmem_shared>>
      %dma_wait3A_131 = tpu.memref_slice %arg11[%mul3A_4] : memref<16384xi32, #tpu.memory_space<vmem>> -> memref<1024xi32, #tpu.memory_space<vmem>>
      tpu.wait_dma2 semaphore(%run_scoped3A : memref<!tpu.dma_semaphore, #tpu.memory_space<semaphore_mem>>) src(%dma_wait3A_131 : memref<1024xi32, #tpu.memory_space<vmem>>) dst(%dma_wait3A_130 : memref<1024xi32, #tpu.memory_space<vmem_shared>>)
      tpu.yield
    }) : () -> ()
    %barrier3A = arith.constant 0 : index
    tpu.barrier barrier_id(%barrier3A)
    "tpu.region"() ({
      %run_scoped3A = tpu.sem_alloc : memref<!tpu.dma_semaphore, #tpu.memory_space<semaphore_mem>>
      tpu.enqueue_dma source(%arg19 : memref<16384xi32, #tpu.memory_space<vmem_shared>>) target(%arg11 : memref<16384xi32, #tpu.memory_space<vmem>>) target_semaphore(%run_scoped3A : memref<!tpu.dma_semaphore, #tpu.memory_space<semaphore_mem>>)
      tpu.wait_dma2 semaphore(%run_scoped3A : memref<!tpu.dma_semaphore, #tpu.memory_space<semaphore_mem>>) src(%arg19 : memref<16384xi32, #tpu.memory_space<vmem_shared>>) dst(%arg11 : memref<16384xi32, #tpu.memory_space<vmem>>)
      tpu.yield
    }) : () -> ()
    %scan3A_31 = arith.constant 0 : i32
    %scan3A_32 = arith.constant 1024 : i32
    %scan3A_33 = arith.addi %scan3A_31, %scan3A_32 : i32
    %scan3A_34 = arith.constant 8 : i32
    scf.for %scan3A_124 = %scan3A_31 to %scan3A_33 step %scan3A_34  : i32 {
      %mul3A_125 = arith.constant 1 : i32
      %mul3A_126 = arith.muli %scan3A_124, %mul3A_125 : i32
      %add3A_127 = arith.constant 0 : i32
      %add3A_128 = arith.addi %add3A_127, %mul3A_126 : i32
      %mul3A_129 = arith.constant 16 : i32
      %mul3A_130 = arith.muli %add3A_128, %mul3A_129 : i32
      %get3A_131 = arith.index_cast %mul3A_130 : i32 to index
      %get3A_132 = tpu.vector_load %arg11[%get3A_131] {strides = array<i32>} : memref<16384xi32, #tpu.memory_space<vmem>>, vector<16xi32>,
      %sub3A = vector.broadcast %mul3A_18 : i32 to vector<16xi32>
      %sub3A_133 = arith.subi %get3A_132, %sub3A : vector<16xi32>
      %ge3A = arith.constant 0 : i32
      %ge3A_134 = vector.broadcast %ge3A : i32 to vector<16xi32>
      %ge3A_135 = arith.cmpi sge, %sub3A_133, %ge3A_134 : vector<16xi32>
      %lt3A = arith.constant 6256 : i32
      %lt3A_136 = vector.broadcast %lt3A : i32 to vector<16xi32>
      %lt3A_137 = arith.cmpi slt, %sub3A_133, %lt3A_136 : vector<16xi32>
      %and3A_138 = arith.andi %ge3A_135, %lt3A_137 : vector<16xi1>
      %jit3A = arith.constant 0 : i32
      %broadcast_in_dim3A = vector.broadcast %jit3A : i32 to vector<16xi32>
      %select_n3A = arith.select %and3A_138, %sub3A_133, %broadcast_in_dim3A : vector<16xi1>, vector<16xi32>
      %mul3A_139 = arith.constant 16 : i32
      %mul3A_140 = arith.muli %add3A_128, %mul3A_139 : i32
      %add3A_141 = vector.broadcast %mul3A_140 : i32 to vector<16xi32>
      %add3A_142 = arith.addi %add3A_141, %iota3A : vector<16xi32>
      tpu.vector_store_idx %arg13[%select_n3A], %add3A_142 masked %and3A_138 : memref<6256xi32, #tpu.memory_space<vmem>>[vector<16xi32>], vector<16xi32>, vector<16xi1>
      %scan3A_143 = arith.constant 1 : i32
      %scan3A_144 = arith.addi %scan3A_124, %scan3A_143 : i32
      %mul3A_145 = arith.constant 1 : i32
      %mul3A_146 = arith.muli %scan3A_144, %mul3A_145 : i32
      %add3A_147 = arith.constant 0 : i32
      %add3A_148 = arith.addi %add3A_147, %mul3A_146 : i32
      %mul3A_149 = arith.constant 16 : i32
      %mul3A_150 = arith.muli %add3A_148, %mul3A_149 : i32
      %get3A_151 = arith.index_cast %mul3A_150 : i32 to index
      %get3A_152 = tpu.vector_load %arg11[%get3A_151] {strides = array<i32>} : memref<16384xi32, #tpu.memory_space<vmem>>, vector<16xi32>,
      %sub3A_153 = vector.broadcast %mul3A_18 : i32 to vector<16xi32>
      %sub3A_154 = arith.subi %get3A_152, %sub3A_153 : vector<16xi32>
      %ge3A_155 = arith.constant 0 : i32
      %ge3A_156 = vector.broadcast %ge3A_155 : i32 to vector<16xi32>
      %ge3A_157 = arith.cmpi sge, %sub3A_154, %ge3A_156 : vector<16xi32>
      %lt3A_158 = arith.constant 6256 : i32
      %lt3A_159 = vector.broadcast %lt3A_158 : i32 to vector<16xi32>
      %lt3A_160 = arith.cmpi slt, %sub3A_154, %lt3A_159 : vector<16xi32>
      %and3A_161 = arith.andi %ge3A_157, %lt3A_160 : vector<16xi1>
      %jit3A_162 = arith.constant 0 : i32
      %broadcast_in_dim3A_163 = vector.broadcast %jit3A_162 : i32 to vector<16xi32>
      %select_n3A_164 = arith.select %and3A_161, %sub3A_154, %broadcast_in_dim3A_163 : vector<16xi1>, vector<16xi32>
      %mul3A_165 = arith.constant 16 : i32
      %mul3A_166 = arith.muli %add3A_148, %mul3A_165 : i32
      %add3A_167 = vector.broadcast %mul3A_166 : i32 to vector<16xi32>
      %add3A_168 = arith.addi %add3A_167, %iota3A : vector<16xi32>
      tpu.vector_store_idx %arg13[%select_n3A_164], %add3A_168 masked %and3A_161 : memref<6256xi32, #tpu.memory_space<vmem>>[vector<16xi32>], vector<16xi32>, vector<16xi1>
      %scan3A_169 = arith.constant 2 : i32
      %scan3A_170 = arith.addi %scan3A_124, %scan3A_169 : i32
      %mul3A_171 = arith.constant 1 : i32
      %mul3A_172 = arith.muli %scan3A_170, %mul3A_171 : i32
      %add3A_173 = arith.constant 0 : i32
      %add3A_174 = arith.addi %add3A_173, %mul3A_172 : i32
      %mul3A_175 = arith.constant 16 : i32
      %mul3A_176 = arith.muli %add3A_174, %mul3A_175 : i32
      %get3A_177 = arith.index_cast %mul3A_176 : i32 to index
      %get3A_178 = tpu.vector_load %arg11[%get3A_177] {strides = array<i32>} : memref<16384xi32, #tpu.memory_space<vmem>>, vector<16xi32>,
      %sub3A_179 = vector.broadcast %mul3A_18 : i32 to vector<16xi32>
      %sub3A_180 = arith.subi %get3A_178, %sub3A_179 : vector<16xi32>
      %ge3A_181 = arith.constant 0 : i32
      %ge3A_182 = vector.broadcast %ge3A_181 : i32 to vector<16xi32>
      %ge3A_183 = arith.cmpi sge, %sub3A_180, %ge3A_182 : vector<16xi32>
      %lt3A_184 = arith.constant 6256 : i32
      %lt3A_185 = vector.broadcast %lt3A_184 : i32 to vector<16xi32>
      %lt3A_186 = arith.cmpi slt, %sub3A_180, %lt3A_185 : vector<16xi32>
      %and3A_187 = arith.andi %ge3A_183, %lt3A_186 : vector<16xi1>
      %jit3A_188 = arith.constant 0 : i32
      %broadcast_in_dim3A_189 = vector.broadcast %jit3A_188 : i32 to vector<16xi32>
      %select_n3A_190 = arith.select %and3A_187, %sub3A_180, %broadcast_in_dim3A_189 : vector<16xi1>, vector<16xi32>
      %mul3A_191 = arith.constant 16 : i32
      %mul3A_192 = arith.muli %add3A_174, %mul3A_191 : i32
      %add3A_193 = vector.broadcast %mul3A_192 : i32 to vector<16xi32>
      %add3A_194 = arith.addi %add3A_193, %iota3A : vector<16xi32>
      tpu.vector_store_idx %arg13[%select_n3A_190], %add3A_194 masked %and3A_187 : memref<6256xi32, #tpu.memory_space<vmem>>[vector<16xi32>], vector<16xi32>, vector<16xi1>
      %scan3A_195 = arith.constant 3 : i32
      %scan3A_196 = arith.addi %scan3A_124, %scan3A_195 : i32
      %mul3A_197 = arith.constant 1 : i32
      %mul3A_198 = arith.muli %scan3A_196, %mul3A_197 : i32
      %add3A_199 = arith.constant 0 : i32
      %add3A_200 = arith.addi %add3A_199, %mul3A_198 : i32
      %mul3A_201 = arith.constant 16 : i32
      %mul3A_202 = arith.muli %add3A_200, %mul3A_201 : i32
      %get3A_203 = arith.index_cast %mul3A_202 : i32 to index
      %get3A_204 = tpu.vector_load %arg11[%get3A_203] {strides = array<i32>} : memref<16384xi32, #tpu.memory_space<vmem>>, vector<16xi32>,
      %sub3A_205 = vector.broadcast %mul3A_18 : i32 to vector<16xi32>
      %sub3A_206 = arith.subi %get3A_204, %sub3A_205 : vector<16xi32>
      %ge3A_207 = arith.constant 0 : i32
      %ge3A_208 = vector.broadcast %ge3A_207 : i32 to vector<16xi32>
      %ge3A_209 = arith.cmpi sge, %sub3A_206, %ge3A_208 : vector<16xi32>
      %lt3A_210 = arith.constant 6256 : i32
      %lt3A_211 = vector.broadcast %lt3A_210 : i32 to vector<16xi32>
      %lt3A_212 = arith.cmpi slt, %sub3A_206, %lt3A_211 : vector<16xi32>
      %and3A_213 = arith.andi %ge3A_209, %lt3A_212 : vector<16xi1>
      %jit3A_214 = arith.constant 0 : i32
      %broadcast_in_dim3A_215 = vector.broadcast %jit3A_214 : i32 to vector<16xi32>
      %select_n3A_216 = arith.select %and3A_213, %sub3A_206, %broadcast_in_dim3A_215 : vector<16xi1>, vector<16xi32>
      %mul3A_217 = arith.constant 16 : i32
      %mul3A_218 = arith.muli %add3A_200, %mul3A_217 : i32
      %add3A_219 = vector.broadcast %mul3A_218 : i32 to vector<16xi32>
      %add3A_220 = arith.addi %add3A_219, %iota3A : vector<16xi32>
      tpu.vector_store_idx %arg13[%select_n3A_216], %add3A_220 masked %and3A_213 : memref<6256xi32, #tpu.memory_space<vmem>>[vector<16xi32>], vector<16xi32>, vector<16xi1>
      %scan3A_221 = arith.constant 4 : i32
      %scan3A_222 = arith.addi %scan3A_124, %scan3A_221 : i32
      %mul3A_223 = arith.constant 1 : i32
      %mul3A_224 = arith.muli %scan3A_222, %mul3A_223 : i32
      %add3A_225 = arith.constant 0 : i32
      %add3A_226 = arith.addi %add3A_225, %mul3A_224 : i32
      %mul3A_227 = arith.constant 16 : i32
      %mul3A_228 = arith.muli %add3A_226, %mul3A_227 : i32
      %get3A_229 = arith.index_cast %mul3A_228 : i32 to index
      %get3A_230 = tpu.vector_load %arg11[%get3A_229] {strides = array<i32>} : memref<16384xi32, #tpu.memory_space<vmem>>, vector<16xi32>,
      %sub3A_231 = vector.broadcast %mul3A_18 : i32 to vector<16xi32>
      %sub3A_232 = arith.subi %get3A_230, %sub3A_231 : vector<16xi32>
      %ge3A_233 = arith.constant 0 : i32
      %ge3A_234 = vector.broadcast %ge3A_233 : i32 to vector<16xi32>
      %ge3A_235 = arith.cmpi sge, %sub3A_232, %ge3A_234 : vector<16xi32>
      %lt3A_236 = arith.constant 6256 : i32
      %lt3A_237 = vector.broadcast %lt3A_236 : i32 to vector<16xi32>
      %lt3A_238 = arith.cmpi slt, %sub3A_232, %lt3A_237 : vector<16xi32>
      %and3A_239 = arith.andi %ge3A_235, %lt3A_238 : vector<16xi1>
      %jit3A_240 = arith.constant 0 : i32
      %broadcast_in_dim3A_241 = vector.broadcast %jit3A_240 : i32 to vector<16xi32>
      %select_n3A_242 = arith.select %and3A_239, %sub3A_232, %broadcast_in_dim3A_241 : vector<16xi1>, vector<16xi32>
      %mul3A_243 = arith.constant 16 : i32
      %mul3A_244 = arith.muli %add3A_226, %mul3A_243 : i32
      %add3A_245 = vector.broadcast %mul3A_244 : i32 to vector<16xi32>
      %add3A_246 = arith.addi %add3A_245, %iota3A : vector<16xi32>
      tpu.vector_store_idx %arg13[%select_n3A_242], %add3A_246 masked %and3A_239 : memref<6256xi32, #tpu.memory_space<vmem>>[vector<16xi32>], vector<16xi32>, vector<16xi1>
      %scan3A_247 = arith.constant 5 : i32
      %scan3A_248 = arith.addi %scan3A_124, %scan3A_247 : i32
      %mul3A_249 = arith.constant 1 : i32
      %mul3A_250 = arith.muli %scan3A_248, %mul3A_249 : i32
      %add3A_251 = arith.constant 0 : i32
      %add3A_252 = arith.addi %add3A_251, %mul3A_250 : i32
      %mul3A_253 = arith.constant 16 : i32
      %mul3A_254 = arith.muli %add3A_252, %mul3A_253 : i32
      %get3A_255 = arith.index_cast %mul3A_254 : i32 to index
      %get3A_256 = tpu.vector_load %arg11[%get3A_255] {strides = array<i32>} : memref<16384xi32, #tpu.memory_space<vmem>>, vector<16xi32>,
      %sub3A_257 = vector.broadcast %mul3A_18 : i32 to vector<16xi32>
      %sub3A_258 = arith.subi %get3A_256, %sub3A_257 : vector<16xi32>
      %ge3A_259 = arith.constant 0 : i32
      %ge3A_260 = vector.broadcast %ge3A_259 : i32 to vector<16xi32>
      %ge3A_261 = arith.cmpi sge, %sub3A_258, %ge3A_260 : vector<16xi32>
      %lt3A_262 = arith.constant 6256 : i32
      %lt3A_263 = vector.broadcast %lt3A_262 : i32 to vector<16xi32>
      %lt3A_264 = arith.cmpi slt, %sub3A_258, %lt3A_263 : vector<16xi32>
      %and3A_265 = arith.andi %ge3A_261, %lt3A_264 : vector<16xi1>
      %jit3A_266 = arith.constant 0 : i32
      %broadcast_in_dim3A_267 = vector.broadcast %jit3A_266 : i32 to vector<16xi32>
      %select_n3A_268 = arith.select %and3A_265, %sub3A_258, %broadcast_in_dim3A_267 : vector<16xi1>, vector<16xi32>
      %mul3A_269 = arith.constant 16 : i32
      %mul3A_270 = arith.muli %add3A_252, %mul3A_269 : i32
      %add3A_271 = vector.broadcast %mul3A_270 : i32 to vector<16xi32>
      %add3A_272 = arith.addi %add3A_271, %iota3A : vector<16xi32>
      tpu.vector_store_idx %arg13[%select_n3A_268], %add3A_272 masked %and3A_265 : memref<6256xi32, #tpu.memory_space<vmem>>[vector<16xi32>], vector<16xi32>, vector<16xi1>
      %scan3A_273 = arith.constant 6 : i32
      %scan3A_274 = arith.addi %scan3A_124, %scan3A_273 : i32
      %mul3A_275 = arith.constant 1 : i32
      %mul3A_276 = arith.muli %scan3A_274, %mul3A_275 : i32
      %add3A_277 = arith.constant 0 : i32
      %add3A_278 = arith.addi %add3A_277, %mul3A_276 : i32
      %mul3A_279 = arith.constant 16 : i32
      %mul3A_280 = arith.muli %add3A_278, %mul3A_279 : i32
      %get3A_281 = arith.index_cast %mul3A_280 : i32 to index
      %get3A_282 = tpu.vector_load %arg11[%get3A_281] {strides = array<i32>} : memref<16384xi32, #tpu.memory_space<vmem>>, vector<16xi32>,
      %sub3A_283 = vector.broadcast %mul3A_18 : i32 to vector<16xi32>
      %sub3A_284 = arith.subi %get3A_282, %sub3A_283 : vector<16xi32>
      %ge3A_285 = arith.constant 0 : i32
      %ge3A_286 = vector.broadcast %ge3A_285 : i32 to vector<16xi32>
      %ge3A_287 = arith.cmpi sge, %sub3A_284, %ge3A_286 : vector<16xi32>
      %lt3A_288 = arith.constant 6256 : i32
      %lt3A_289 = vector.broadcast %lt3A_288 : i32 to vector<16xi32>
      %lt3A_290 = arith.cmpi slt, %sub3A_284, %lt3A_289 : vector<16xi32>
      %and3A_291 = arith.andi %ge3A_287, %lt3A_290 : vector<16xi1>
      %jit3A_292 = arith.constant 0 : i32
      %broadcast_in_dim3A_293 = vector.broadcast %jit3A_292 : i32 to vector<16xi32>
      %select_n3A_294 = arith.select %and3A_291, %sub3A_284, %broadcast_in_dim3A_293 : vector<16xi1>, vector<16xi32>
      %mul3A_295 = arith.constant 16 : i32
      %mul3A_296 = arith.muli %add3A_278, %mul3A_295 : i32
      %add3A_297 = vector.broadcast %mul3A_296 : i32 to vector<16xi32>
      %add3A_298 = arith.addi %add3A_297, %iota3A : vector<16xi32>
      tpu.vector_store_idx %arg13[%select_n3A_294], %add3A_298 masked %and3A_291 : memref<6256xi32, #tpu.memory_space<vmem>>[vector<16xi32>], vector<16xi32>, vector<16xi1>
      %scan3A_299 = arith.constant 7 : i32
      %scan3A_300 = arith.addi %scan3A_124, %scan3A_299 : i32
      %mul3A_301 = arith.constant 1 : i32
      %mul3A_302 = arith.muli %scan3A_300, %mul3A_301 : i32
      %add3A_303 = arith.constant 0 : i32
      %add3A_304 = arith.addi %add3A_303, %mul3A_302 : i32
      %mul3A_305 = arith.constant 16 : i32
      %mul3A_306 = arith.muli %add3A_304, %mul3A_305 : i32
      %get3A_307 = arith.index_cast %mul3A_306 : i32 to index
      %get3A_308 = tpu.vector_load %arg11[%get3A_307] {strides = array<i32>} : memref<16384xi32, #tpu.memory_space<vmem>>, vector<16xi32>,
      %sub3A_309 = vector.broadcast %mul3A_18 : i32 to vector<16xi32>
      %sub3A_310 = arith.subi %get3A_308, %sub3A_309 : vector<16xi32>
      %ge3A_311 = arith.constant 0 : i32
      %ge3A_312 = vector.broadcast %ge3A_311 : i32 to vector<16xi32>
      %ge3A_313 = arith.cmpi sge, %sub3A_310, %ge3A_312 : vector<16xi32>
      %lt3A_314 = arith.constant 6256 : i32
      %lt3A_315 = vector.broadcast %lt3A_314 : i32 to vector<16xi32>
      %lt3A_316 = arith.cmpi slt, %sub3A_310, %lt3A_315 : vector<16xi32>
      %and3A_317 = arith.andi %ge3A_313, %lt3A_316 : vector<16xi1>
      %jit3A_318 = arith.constant 0 : i32
      %broadcast_in_dim3A_319 = vector.broadcast %jit3A_318 : i32 to vector<16xi32>
      %select_n3A_320 = arith.select %and3A_317, %sub3A_310, %broadcast_in_dim3A_319 : vector<16xi1>, vector<16xi32>
      %mul3A_321 = arith.constant 16 : i32
      %mul3A_322 = arith.muli %add3A_304, %mul3A_321 : i32
      %add3A_323 = vector.broadcast %mul3A_322 : i32 to vector<16xi32>
      %add3A_324 = arith.addi %add3A_323, %iota3A : vector<16xi32>
      tpu.vector_store_idx %arg13[%select_n3A_320], %add3A_324 masked %and3A_317 : memref<6256xi32, #tpu.memory_space<vmem>>[vector<16xi32>], vector<16xi32>, vector<16xi1>
    }
    %scan3A_35 = arith.constant 1024 : i32
    %mul3A_36 = arith.constant 6256 : i32
    %mul3A_37 = arith.muli %arg1, %mul3A_36 : i32
    "tpu.region"() ({
      %run_scoped3A = tpu.sem_alloc : memref<!tpu.dma_semaphore, #tpu.memory_space<semaphore_mem>>
      %dma_start3A_124 = tpu.memref_slice %arg18[%mul3A_37] : memref<100096xi32, #tpu.memory_space<vmem_shared>> -> memref<6256xi32, #tpu.memory_space<vmem_shared>>
      %dma_start3A_125 = tpu.memref_slice %arg18[%mul3A_37] : memref<100096xi32, #tpu.memory_space<vmem_shared>> -> memref<6256xi32, #tpu.memory_space<vmem_shared>>
      tpu.enqueue_dma source(%arg13 : memref<6256xi32, #tpu.memory_space<vmem>>) target(%dma_start3A_125 : memref<6256xi32, #tpu.memory_space<vmem_shared>>) target_semaphore(%run_scoped3A : memref<!tpu.dma_semaphore, #tpu.memory_space<semaphore_mem>>)
      %dma_wait3A_126 = tpu.memref_slice %arg18[%mul3A_37] : memref<100096xi32, #tpu.memory_space<vmem_shared>> -> memref<6256xi32, #tpu.memory_space<vmem_shared>>
      %dma_wait3A_127 = tpu.memref_slice %arg18[%mul3A_37] : memref<100096xi32, #tpu.memory_space<vmem_shared>> -> memref<6256xi32, #tpu.memory_space<vmem_shared>>
      tpu.wait_dma2 semaphore(%run_scoped3A : memref<!tpu.dma_semaphore, #tpu.memory_space<semaphore_mem>>) src(%arg13 : memref<6256xi32, #tpu.memory_space<vmem>>) dst(%dma_wait3A_127 : memref<6256xi32, #tpu.memory_space<vmem_shared>>)
      tpu.yield
    }) : () -> ()
    %barrier3A_38 = arith.constant 0 : index
    tpu.barrier barrier_id(%barrier3A_38)
    %dma_start3A_39 = arith.constant 0 : i32
    %dma_start3A_40 = tpu.memref_slice %arg18[%dma_start3A_39] : memref<100096xi32, #tpu.memory_space<vmem_shared>> -> memref<100096xi32, #tpu.memory_space<vmem_shared>>
    tpu.enqueue_indirect_dma source(%dma_start3A_40 : memref<100096xi32, #tpu.memory_space<vmem_shared>>) target(%arg14 : memref<512xi32, #tpu.memory_space<vmem>>) offsets(%arg10 : memref<512xi32, #tpu.memory_space<vmem>>) semaphore(%arg20 : memref<!tpu.dma_semaphore, #tpu.memory_space<semaphore_mem>>)
    %dma_wait3A = arith.constant 0 : i32
    %dma_wait3A_41 = tpu.memref_slice %arg18[%dma_wait3A] : memref<100096xi32, #tpu.memory_space<vmem_shared>> -> memref<100096xi32, #tpu.memory_space<vmem_shared>>
    tpu.wait_indirect_dma semaphore(%arg20 : memref<!tpu.dma_semaphore, #tpu.memory_space<semaphore_mem>>) src(%dma_wait3A_41 : memref<100096xi32, #tpu.memory_space<vmem_shared>>) dst(%arg14 : memref<512xi32, #tpu.memory_space<vmem>>)
    %dma_start3A_42 = arith.constant 0 : i32
    %dma_start3A_43 = arith.constant 0 : i32
    %dma_start3A_44 = tpu.memref_slice %arg15[%dma_start3A_42, %dma_start3A_43] : memref<512x128xf32, #tpu.memory_space<vmem>> -> memref<256x128xf32, #tpu.memory_space<vmem>>
    %dma_start3A_45 = arith.constant 0 : i32
    %dma_start3A_46 = tpu.memref_slice %arg14[%dma_start3A_45] : memref<512xi32, #tpu.memory_space<vmem>> -> memref<256xi32, #tpu.memory_space<vmem>>
    %dma_start3A_47 = arith.constant 0 : i32
    %dma_start3A_48 = arith.constant 0 : i32
    %dma_start3A_49 = tpu.memref_slice %arg3[%dma_start3A_47, %dma_start3A_48] : memref<16384x128xf32, #tpu.memory_space<hbm>> -> memref<16384x128xf32, #tpu.memory_space<hbm>>
    tpu.enqueue_indirect_dma source(%dma_start3A_49 : memref<16384x128xf32, #tpu.memory_space<hbm>>) target(%dma_start3A_44 : memref<256x128xf32, #tpu.memory_space<vmem>>) offsets(%dma_start3A_46 : memref<256xi32, #tpu.memory_space<vmem>>) semaphore(%arg20 : memref<!tpu.dma_semaphore, #tpu.memory_space<semaphore_mem>>)
    %dma_start3A_50 = arith.constant 256 : i32
    %dma_start3A_51 = arith.constant 0 : i32
    %dma_start3A_52 = tpu.memref_slice %arg15[%dma_start3A_50, %dma_start3A_51] : memref<512x128xf32, #tpu.memory_space<vmem>> -> memref<256x128xf32, #tpu.memory_space<vmem>>
    %dma_start3A_53 = arith.constant 256 : i32
    %dma_start3A_54 = tpu.memref_slice %arg14[%dma_start3A_53] : memref<512xi32, #tpu.memory_space<vmem>> -> memref<256xi32, #tpu.memory_space<vmem>>
    %dma_start3A_55 = arith.constant 0 : i32
    %dma_start3A_56 = arith.constant 0 : i32
    %dma_start3A_57 = tpu.memref_slice %arg3[%dma_start3A_55, %dma_start3A_56] : memref<16384x128xf32, #tpu.memory_space<hbm>> -> memref<16384x128xf32, #tpu.memory_space<hbm>>
    tpu.enqueue_indirect_dma source(%dma_start3A_57 : memref<16384x128xf32, #tpu.memory_space<hbm>>) target(%dma_start3A_52 : memref<256x128xf32, #tpu.memory_space<vmem>>) offsets(%dma_start3A_54 : memref<256xi32, #tpu.memory_space<vmem>>) semaphore(%arg21 : memref<!tpu.dma_semaphore, #tpu.memory_space<semaphore_mem>>)
    %dma_wait3A_58 = arith.constant 0 : i32
    %dma_wait3A_59 = arith.constant 0 : i32
    %dma_wait3A_60 = tpu.memref_slice %arg15[%dma_wait3A_58, %dma_wait3A_59] : memref<512x128xf32, #tpu.memory_space<vmem>> -> memref<256x128xf32, #tpu.memory_space<vmem>>
    %dma_wait3A_61 = arith.constant 0 : i32
    %dma_wait3A_62 = tpu.memref_slice %arg14[%dma_wait3A_61] : memref<512xi32, #tpu.memory_space<vmem>> -> memref<256xi32, #tpu.memory_space<vmem>>
    %dma_wait3A_63 = arith.constant 0 : i32
    %dma_wait3A_64 = arith.constant 0 : i32
    %dma_wait3A_65 = tpu.memref_slice %arg3[%dma_wait3A_63, %dma_wait3A_64] : memref<16384x128xf32, #tpu.memory_space<hbm>> -> memref<16384x128xf32, #tpu.memory_space<hbm>>
    tpu.wait_indirect_dma semaphore(%arg20 : memref<!tpu.dma_semaphore, #tpu.memory_space<semaphore_mem>>) src(%dma_wait3A_65 : memref<16384x128xf32, #tpu.memory_space<hbm>>) dst(%dma_wait3A_60 : memref<256x128xf32, #tpu.memory_space<vmem>>)
    %mul3A_66 = arith.constant 512 : i32
    %mul3A_67 = arith.muli %add3A, %mul3A_66 : i32
    %dma_start3A_68 = arith.constant 0 : i32
    %dma_start3A_69 = arith.constant 0 : i32
    %dma_start3A_70 = tpu.memref_slice %arg15[%dma_start3A_68, %dma_start3A_69] : memref<512x128xf32, #tpu.memory_space<vmem>> -> memref<256x128xf32, #tpu.memory_space<vmem>>
    %dma_start3A_71 = arith.constant 0 : i32
    %dma_start3A_72 = tpu.memref_slice %arg7[%mul3A_67, %dma_start3A_71] : memref<16384x128xf32, #tpu.memory_space<hbm>> -> memref<256x128xf32, #tpu.memory_space<hbm>>
    %dma_start3A_73 = arith.constant 0 : i32
    %dma_start3A_74 = tpu.memref_slice %arg7[%mul3A_67, %dma_start3A_73] : memref<16384x128xf32, #tpu.memory_space<hbm>> -> memref<256x128xf32, #tpu.memory_space<hbm>>
    %dma_start3A_75 = arith.constant 0 : i32
    %dma_start3A_76 = arith.constant 0 : i32
    %dma_start3A_77 = tpu.memref_slice %arg15[%dma_start3A_75, %dma_start3A_76] : memref<512x128xf32, #tpu.memory_space<vmem>> -> memref<256x128xf32, #tpu.memory_space<vmem>>
    tpu.enqueue_dma source(%dma_start3A_77 : memref<256x128xf32, #tpu.memory_space<vmem>>) target(%dma_start3A_74 : memref<256x128xf32, #tpu.memory_space<hbm>>) target_semaphore(%arg20 : memref<!tpu.dma_semaphore, #tpu.memory_space<semaphore_mem>>)
    %dma_wait3A_78 = arith.constant 256 : i32
    %dma_wait3A_79 = arith.constant 0 : i32
    %dma_wait3A_80 = tpu.memref_slice %arg15[%dma_wait3A_78, %dma_wait3A_79] : memref<512x128xf32, #tpu.memory_space<vmem>> -> memref<256x128xf32, #tpu.memory_space<vmem>>
    %dma_wait3A_81 = arith.constant 256 : i32
    %dma_wait3A_82 = tpu.memref_slice %arg14[%dma_wait3A_81] : memref<512xi32, #tpu.memory_space<vmem>> -> memref<256xi32, #tpu.memory_space<vmem>>
    %dma_wait3A_83 = arith.constant 0 : i32
    %dma_wait3A_84 = arith.constant 0 : i32
    %dma_wait3A_85 = tpu.memref_slice %arg3[%dma_wait3A_83, %dma_wait3A_84] : memref<16384x128xf32, #tpu.memory_space<hbm>> -> memref<16384x128xf32, #tpu.memory_space<hbm>>
    tpu.wait_indirect_dma semaphore(%arg21 : memref<!tpu.dma_semaphore, #tpu.memory_space<semaphore_mem>>) src(%dma_wait3A_85 : memref<16384x128xf32, #tpu.memory_space<hbm>>) dst(%dma_wait3A_80 : memref<256x128xf32, #tpu.memory_space<vmem>>)
    %mul3A_86 = arith.constant 512 : i32
    %mul3A_87 = arith.muli %add3A, %mul3A_86 : i32
    %add3A_88 = arith.constant 256 : i32
    %add3A_89 = arith.addi %mul3A_87, %add3A_88 : i32
    %dma_start3A_90 = arith.constant 256 : i32
    %dma_start3A_91 = arith.constant 0 : i32
    %dma_start3A_92 = tpu.memref_slice %arg15[%dma_start3A_90, %dma_start3A_91] : memref<512x128xf32, #tpu.memory_space<vmem>> -> memref<256x128xf32, #tpu.memory_space<vmem>>
    %dma_start3A_93 = arith.constant 0 : i32
    %dma_start3A_94 = tpu.memref_slice %arg7[%add3A_89, %dma_start3A_93] : memref<16384x128xf32, #tpu.memory_space<hbm>> -> memref<256x128xf32, #tpu.memory_space<hbm>>
    %dma_start3A_95 = arith.constant 0 : i32
    %dma_start3A_96 = tpu.memref_slice %arg7[%add3A_89, %dma_start3A_95] : memref<16384x128xf32, #tpu.memory_space<hbm>> -> memref<256x128xf32, #tpu.memory_space<hbm>>
    %dma_start3A_97 = arith.constant 256 : i32
    %dma_start3A_98 = arith.constant 0 : i32
    %dma_start3A_99 = tpu.memref_slice %arg15[%dma_start3A_97, %dma_start3A_98] : memref<512x128xf32, #tpu.memory_space<vmem>> -> memref<256x128xf32, #tpu.memory_space<vmem>>
    tpu.enqueue_dma source(%dma_start3A_99 : memref<256x128xf32, #tpu.memory_space<vmem>>) target(%dma_start3A_96 : memref<256x128xf32, #tpu.memory_space<hbm>>) target_semaphore(%arg21 : memref<!tpu.dma_semaphore, #tpu.memory_space<semaphore_mem>>)
    %dma_wait3A_100 = arith.constant 0 : i32
    %dma_wait3A_101 = arith.constant 0 : i32
    %dma_wait3A_102 = tpu.memref_slice %arg15[%dma_wait3A_100, %dma_wait3A_101] : memref<512x128xf32, #tpu.memory_space<vmem>> -> memref<256x128xf32, #tpu.memory_space<vmem>>
    %dma_wait3A_103 = arith.constant 0 : i32
    %dma_wait3A_104 = tpu.memref_slice %arg7[%mul3A_67, %dma_wait3A_103] : memref<16384x128xf32, #tpu.memory_space<hbm>> -> memref<256x128xf32, #tpu.memory_space<hbm>>
    %dma_wait3A_105 = arith.constant 0 : i32
    %dma_wait3A_106 = tpu.memref_slice %arg7[%mul3A_67, %dma_wait3A_105] : memref<16384x128xf32, #tpu.memory_space<hbm>> -> memref<256x128xf32, #tpu.memory_space<hbm>>
    %dma_wait3A_107 = arith.constant 0 : i32
    %dma_wait3A_108 = arith.constant 0 : i32
    %dma_wait3A_109 = tpu.memref_slice %arg15[%dma_wait3A_107, %dma_wait3A_108] : memref<512x128xf32, #tpu.memory_space<vmem>> -> memref<256x128xf32, #tpu.memory_space<vmem>>
    tpu.wait_dma2 semaphore(%arg20 : memref<!tpu.dma_semaphore, #tpu.memory_space<semaphore_mem>>) src(%dma_wait3A_109 : memref<256x128xf32, #tpu.memory_space<vmem>>) dst(%dma_wait3A_106 : memref<256x128xf32, #tpu.memory_space<hbm>>)
    %dma_wait3A_110 = arith.constant 256 : i32
    %dma_wait3A_111 = arith.constant 0 : i32
    %dma_wait3A_112 = tpu.memref_slice %arg15[%dma_wait3A_110, %dma_wait3A_111] : memref<512x128xf32, #tpu.memory_space<vmem>> -> memref<256x128xf32, #tpu.memory_space<vmem>>
    %dma_wait3A_113 = arith.constant 0 : i32
    %dma_wait3A_114 = tpu.memref_slice %arg7[%add3A_89, %dma_wait3A_113] : memref<16384x128xf32, #tpu.memory_space<hbm>> -> memref<256x128xf32, #tpu.memory_space<hbm>>
    %dma_wait3A_115 = arith.constant 0 : i32
    %dma_wait3A_116 = tpu.memref_slice %arg7[%add3A_89, %dma_wait3A_115] : memref<16384x128xf32, #tpu.memory_space<hbm>> -> memref<256x128xf32, #tpu.memory_space<hbm>>
    %dma_wait3A_117 = arith.constant 256 : i32
    %dma_wait3A_118 = arith.constant 0 : i32
    %dma_wait3A_119 = tpu.memref_slice %arg15[%dma_wait3A_117, %dma_wait3A_118] : memref<512x128xf32, #tpu.memory_space<vmem>> -> memref<256x128xf32, #tpu.memory_space<vmem>>
    tpu.wait_dma2 semaphore(%arg21 : memref<!tpu.dma_semaphore, #tpu.memory_space<semaphore_mem>>) src(%dma_wait3A_119 : memref<256x128xf32, #tpu.memory_space<vmem>>) dst(%dma_wait3A_116 : memref<256x128xf32, #tpu.memory_space<hbm>>)
    %dma_wait3A_120 = tpu.memref_slice %arg6[%mul3A_13] : memref<16384xi32, #tpu.memory_space<hbm>> -> memref<512xi32, #tpu.memory_space<hbm>>
    %dma_wait3A_121 = tpu.memref_slice %arg6[%mul3A_13] : memref<16384xi32, #tpu.memory_space<hbm>> -> memref<512xi32, #tpu.memory_space<hbm>>
    tpu.wait_dma2 semaphore(%arg22 : memref<!tpu.dma_semaphore, #tpu.memory_space<semaphore_mem>>) src(%arg10 : memref<512xi32, #tpu.memory_space<vmem>>) dst(%dma_wait3A_121 : memref<512xi32, #tpu.memory_space<hbm>>)
    %dma_wait3A_122 = arith.constant 0 : i32
    %dma_wait3A_123 = tpu.memref_slice %arg2[%dma_wait3A_122] : memref<100000xi32, #tpu.memory_space<hbm>> -> memref<100000xi32, #tpu.memory_space<hbm>>
    tpu.wait_indirect_dma semaphore(%arg22 : memref<!tpu.dma_semaphore, #tpu.memory_space<semaphore_mem>>) src(%arg16 : memref<512xi32, #tpu.memory_space<vmem>>) dst(%dma_wait3A_123 : memref<100000xi32, #tpu.memory_space<hbm>>)
    return
  }
}

#map = affine_map<(d0, d1) -> (0, 0)>
#map1 = affine_map<(d0, d1) -> (0)>
module attributes {stable_mosaic.version = 14 : i64} {
  func.func @new_body(%arg0: i32, %arg1: i32, %arg2: memref<100000x128xf32, #tpu.memory_space<hbm>>, %arg3: memref<16384x128xf32, #tpu.memory_space<hbm>>, %arg4: memref<16384xi32, #tpu.memory_space<hbm>>, %arg5: memref<100000x128xf32, #tpu.memory_space<hbm>>, %arg6: memref<256xi32, #tpu.memory_space<vmem>>, %arg7: memref<256xi32, #tpu.memory_space<vmem>>, %arg8: memref<512x128xf32, #tpu.memory_space<vmem>>, %arg9: memref<!tpu.dma_semaphore, #tpu.memory_space<semaphore_mem>>, %arg10: memref<!tpu.dma_semaphore, #tpu.memory_space<semaphore_mem>>) attributes {dimension_semantics = [#tpu.dimension_semantics<core_parallel>, #tpu.dimension_semantics<subcore_parallel>], iteration_bounds = array<i64: 2, 16>, scalar_prefetch = 0 : i64, scratch_operands = 5 : i64, tpu.core_type = #tpu.core_type<sc_vector_subcore>, window_params = [{transform_indices = #map}, {transform_indices = #map}, {transform_indices = #map1}, {transform_indices = #map}]} {
    %mul3A = arith.constant 16 : i32
    %mul3A_0 = arith.muli %arg0, %mul3A : i32
    %add3A = arith.addi %mul3A_0, %arg1 : i32
    %mul3A_1 = arith.constant 512 : i32
    %mul3A_2 = arith.muli %add3A, %mul3A_1 : i32
    "tpu.region"() ({
      %run_scoped3A = tpu.sem_alloc : memref<!tpu.dma_semaphore, #tpu.memory_space<semaphore_mem>>
      %dma_start3A_75 = tpu.memref_slice %arg4[%mul3A_2] : memref<16384xi32, #tpu.memory_space<hbm>> -> memref<256xi32, #tpu.memory_space<hbm>>
      %dma_start3A_76 = tpu.memref_slice %arg4[%mul3A_2] : memref<16384xi32, #tpu.memory_space<hbm>> -> memref<256xi32, #tpu.memory_space<hbm>>
      tpu.enqueue_dma source(%dma_start3A_76 : memref<256xi32, #tpu.memory_space<hbm>>) target(%arg6 : memref<256xi32, #tpu.memory_space<vmem>>) target_semaphore(%run_scoped3A : memref<!tpu.dma_semaphore, #tpu.memory_space<semaphore_mem>>)
      %dma_wait3A_77 = tpu.memref_slice %arg4[%mul3A_2] : memref<16384xi32, #tpu.memory_space<hbm>> -> memref<256xi32, #tpu.memory_space<hbm>>
      %dma_wait3A_78 = tpu.memref_slice %arg4[%mul3A_2] : memref<16384xi32, #tpu.memory_space<hbm>> -> memref<256xi32, #tpu.memory_space<hbm>>
      tpu.wait_dma2 semaphore(%run_scoped3A : memref<!tpu.dma_semaphore, #tpu.memory_space<semaphore_mem>>) src(%dma_wait3A_78 : memref<256xi32, #tpu.memory_space<hbm>>) dst(%arg6 : memref<256xi32, #tpu.memory_space<vmem>>)
      tpu.yield
    }) : () -> ()
    %mul3A_3 = arith.constant 512 : i32
    %mul3A_4 = arith.muli %add3A, %mul3A_3 : i32
    %dma_start3A = arith.constant 0 : i32
    %dma_start3A_5 = arith.constant 0 : i32
    %dma_start3A_6 = tpu.memref_slice %arg8[%dma_start3A, %dma_start3A_5] : memref<512x128xf32, #tpu.memory_space<vmem>> -> memref<256x128xf32, #tpu.memory_space<vmem>>
    %dma_start3A_7 = arith.constant 0 : i32
    %dma_start3A_8 = tpu.memref_slice %arg3[%mul3A_4, %dma_start3A_7] : memref<16384x128xf32, #tpu.memory_space<hbm>> -> memref<256x128xf32, #tpu.memory_space<hbm>>
    %dma_start3A_9 = arith.constant 0 : i32
    %dma_start3A_10 = arith.constant 0 : i32
    %dma_start3A_11 = tpu.memref_slice %arg8[%dma_start3A_9, %dma_start3A_10] : memref<512x128xf32, #tpu.memory_space<vmem>> -> memref<256x128xf32, #tpu.memory_space<vmem>>
    %dma_start3A_12 = arith.constant 0 : i32
    %dma_start3A_13 = tpu.memref_slice %arg3[%mul3A_4, %dma_start3A_12] : memref<16384x128xf32, #tpu.memory_space<hbm>> -> memref<256x128xf32, #tpu.memory_space<hbm>>
    tpu.enqueue_dma source(%dma_start3A_13 : memref<256x128xf32, #tpu.memory_space<hbm>>) target(%dma_start3A_11 : memref<256x128xf32, #tpu.memory_space<vmem>>) target_semaphore(%arg9 : memref<!tpu.dma_semaphore, #tpu.memory_space<semaphore_mem>>)
    %mul3A_14 = arith.constant 512 : i32
    %mul3A_15 = arith.muli %add3A, %mul3A_14 : i32
    %add3A_16 = arith.constant 256 : i32
    %add3A_17 = arith.addi %mul3A_15, %add3A_16 : i32
    "tpu.region"() ({
      %run_scoped3A = tpu.sem_alloc : memref<!tpu.dma_semaphore, #tpu.memory_space<semaphore_mem>>
      %dma_start3A_75 = tpu.memref_slice %arg4[%add3A_17] : memref<16384xi32, #tpu.memory_space<hbm>> -> memref<256xi32, #tpu.memory_space<hbm>>
      %dma_start3A_76 = tpu.memref_slice %arg4[%add3A_17] : memref<16384xi32, #tpu.memory_space<hbm>> -> memref<256xi32, #tpu.memory_space<hbm>>
      tpu.enqueue_dma source(%dma_start3A_76 : memref<256xi32, #tpu.memory_space<hbm>>) target(%arg7 : memref<256xi32, #tpu.memory_space<vmem>>) target_semaphore(%run_scoped3A : memref<!tpu.dma_semaphore, #tpu.memory_space<semaphore_mem>>)
      %dma_wait3A_77 = tpu.memref_slice %arg4[%add3A_17] : memref<16384xi32, #tpu.memory_space<hbm>> -> memref<256xi32, #tpu.memory_space<hbm>>
      %dma_wait3A_78 = tpu.memref_slice %arg4[%add3A_17] : memref<16384xi32, #tpu.memory_space<hbm>> -> memref<256xi32, #tpu.memory_space<hbm>>
      tpu.wait_dma2 semaphore(%run_scoped3A : memref<!tpu.dma_semaphore, #tpu.memory_space<semaphore_mem>>) src(%dma_wait3A_78 : memref<256xi32, #tpu.memory_space<hbm>>) dst(%arg7 : memref<256xi32, #tpu.memory_space<vmem>>)
      tpu.yield
    }) : () -> ()
    %mul3A_18 = arith.constant 512 : i32
    %mul3A_19 = arith.muli %add3A, %mul3A_18 : i32
    %add3A_20 = arith.constant 256 : i32
    %add3A_21 = arith.addi %mul3A_19, %add3A_20 : i32
    %dma_start3A_22 = arith.constant 256 : i32
    %dma_start3A_23 = arith.constant 0 : i32
    %dma_start3A_24 = tpu.memref_slice %arg8[%dma_start3A_22, %dma_start3A_23] : memref<512x128xf32, #tpu.memory_space<vmem>> -> memref<256x128xf32, #tpu.memory_space<vmem>>
    %dma_start3A_25 = arith.constant 0 : i32
    %dma_start3A_26 = tpu.memref_slice %arg3[%add3A_21, %dma_start3A_25] : memref<16384x128xf32, #tpu.memory_space<hbm>> -> memref<256x128xf32, #tpu.memory_space<hbm>>
    %dma_start3A_27 = arith.constant 256 : i32
    %dma_start3A_28 = arith.constant 0 : i32
    %dma_start3A_29 = tpu.memref_slice %arg8[%dma_start3A_27, %dma_start3A_28] : memref<512x128xf32, #tpu.memory_space<vmem>> -> memref<256x128xf32, #tpu.memory_space<vmem>>
    %dma_start3A_30 = arith.constant 0 : i32
    %dma_start3A_31 = tpu.memref_slice %arg3[%add3A_21, %dma_start3A_30] : memref<16384x128xf32, #tpu.memory_space<hbm>> -> memref<256x128xf32, #tpu.memory_space<hbm>>
    tpu.enqueue_dma source(%dma_start3A_31 : memref<256x128xf32, #tpu.memory_space<hbm>>) target(%dma_start3A_29 : memref<256x128xf32, #tpu.memory_space<vmem>>) target_semaphore(%arg10 : memref<!tpu.dma_semaphore, #tpu.memory_space<semaphore_mem>>)
    %dma_wait3A = arith.constant 0 : i32
    %dma_wait3A_32 = arith.constant 0 : i32
    %dma_wait3A_33 = tpu.memref_slice %arg8[%dma_wait3A, %dma_wait3A_32] : memref<512x128xf32, #tpu.memory_space<vmem>> -> memref<256x128xf32, #tpu.memory_space<vmem>>
    %dma_wait3A_34 = arith.constant 0 : i32
    %dma_wait3A_35 = tpu.memref_slice %arg3[%mul3A_4, %dma_wait3A_34] : memref<16384x128xf32, #tpu.memory_space<hbm>> -> memref<256x128xf32, #tpu.memory_space<hbm>>
    %dma_wait3A_36 = arith.constant 0 : i32
    %dma_wait3A_37 = arith.constant 0 : i32
    %dma_wait3A_38 = tpu.memref_slice %arg8[%dma_wait3A_36, %dma_wait3A_37] : memref<512x128xf32, #tpu.memory_space<vmem>> -> memref<256x128xf32, #tpu.memory_space<vmem>>
    %dma_wait3A_39 = arith.constant 0 : i32
    %dma_wait3A_40 = tpu.memref_slice %arg3[%mul3A_4, %dma_wait3A_39] : memref<16384x128xf32, #tpu.memory_space<hbm>> -> memref<256x128xf32, #tpu.memory_space<hbm>>
    tpu.wait_dma2 semaphore(%arg9 : memref<!tpu.dma_semaphore, #tpu.memory_space<semaphore_mem>>) src(%dma_wait3A_40 : memref<256x128xf32, #tpu.memory_space<hbm>>) dst(%dma_wait3A_38 : memref<256x128xf32, #tpu.memory_space<vmem>>)
    %dma_start3A_41 = arith.constant 0 : i32
    %dma_start3A_42 = arith.constant 0 : i32
    %dma_start3A_43 = tpu.memref_slice %arg8[%dma_start3A_41, %dma_start3A_42] : memref<512x128xf32, #tpu.memory_space<vmem>> -> memref<256x128xf32, #tpu.memory_space<vmem>>
    %dma_start3A_44 = arith.constant 0 : i32
    %dma_start3A_45 = arith.constant 0 : i32
    %dma_start3A_46 = tpu.memref_slice %arg2[%dma_start3A_44, %dma_start3A_45] : memref<100000x128xf32, #tpu.memory_space<hbm>> -> memref<100000x128xf32, #tpu.memory_space<hbm>>
    tpu.enqueue_indirect_dma source(%dma_start3A_43 : memref<256x128xf32, #tpu.memory_space<vmem>>) target(%dma_start3A_46 : memref<100000x128xf32, #tpu.memory_space<hbm>>) offsets(%arg6 : memref<256xi32, #tpu.memory_space<vmem>>) semaphore(%arg9 : memref<!tpu.dma_semaphore, #tpu.memory_space<semaphore_mem>>)
    %dma_wait3A_47 = arith.constant 256 : i32
    %dma_wait3A_48 = arith.constant 0 : i32
    %dma_wait3A_49 = tpu.memref_slice %arg8[%dma_wait3A_47, %dma_wait3A_48] : memref<512x128xf32, #tpu.memory_space<vmem>> -> memref<256x128xf32, #tpu.memory_space<vmem>>
    %dma_wait3A_50 = arith.constant 0 : i32
    %dma_wait3A_51 = tpu.memref_slice %arg3[%add3A_21, %dma_wait3A_50] : memref<16384x128xf32, #tpu.memory_space<hbm>> -> memref<256x128xf32, #tpu.memory_space<hbm>>
    %dma_wait3A_52 = arith.constant 256 : i32
    %dma_wait3A_53 = arith.constant 0 : i32
    %dma_wait3A_54 = tpu.memref_slice %arg8[%dma_wait3A_52, %dma_wait3A_53] : memref<512x128xf32, #tpu.memory_space<vmem>> -> memref<256x128xf32, #tpu.memory_space<vmem>>
    %dma_wait3A_55 = arith.constant 0 : i32
    %dma_wait3A_56 = tpu.memref_slice %arg3[%add3A_21, %dma_wait3A_55] : memref<16384x128xf32, #tpu.memory_space<hbm>> -> memref<256x128xf32, #tpu.memory_space<hbm>>
    tpu.wait_dma2 semaphore(%arg10 : memref<!tpu.dma_semaphore, #tpu.memory_space<semaphore_mem>>) src(%dma_wait3A_56 : memref<256x128xf32, #tpu.memory_space<hbm>>) dst(%dma_wait3A_54 : memref<256x128xf32, #tpu.memory_space<vmem>>)
    %dma_start3A_57 = arith.constant 256 : i32
    %dma_start3A_58 = arith.constant 0 : i32
    %dma_start3A_59 = tpu.memref_slice %arg8[%dma_start3A_57, %dma_start3A_58] : memref<512x128xf32, #tpu.memory_space<vmem>> -> memref<256x128xf32, #tpu.memory_space<vmem>>
    %dma_start3A_60 = arith.constant 0 : i32
    %dma_start3A_61 = arith.constant 0 : i32
    %dma_start3A_62 = tpu.memref_slice %arg2[%dma_start3A_60, %dma_start3A_61] : memref<100000x128xf32, #tpu.memory_space<hbm>> -> memref<100000x128xf32, #tpu.memory_space<hbm>>
    tpu.enqueue_indirect_dma source(%dma_start3A_59 : memref<256x128xf32, #tpu.memory_space<vmem>>) target(%dma_start3A_62 : memref<100000x128xf32, #tpu.memory_space<hbm>>) offsets(%arg7 : memref<256xi32, #tpu.memory_space<vmem>>) semaphore(%arg10 : memref<!tpu.dma_semaphore, #tpu.memory_space<semaphore_mem>>)
    %dma_wait3A_63 = arith.constant 0 : i32
    %dma_wait3A_64 = arith.constant 0 : i32
    %dma_wait3A_65 = tpu.memref_slice %arg8[%dma_wait3A_63, %dma_wait3A_64] : memref<512x128xf32, #tpu.memory_space<vmem>> -> memref<256x128xf32, #tpu.memory_space<vmem>>
    %dma_wait3A_66 = arith.constant 0 : i32
    %dma_wait3A_67 = arith.constant 0 : i32
    %dma_wait3A_68 = tpu.memref_slice %arg2[%dma_wait3A_66, %dma_wait3A_67] : memref<100000x128xf32, #tpu.memory_space<hbm>> -> memref<100000x128xf32, #tpu.memory_space<hbm>>
    tpu.wait_indirect_dma semaphore(%arg9 : memref<!tpu.dma_semaphore, #tpu.memory_space<semaphore_mem>>) src(%dma_wait3A_65 : memref<256x128xf32, #tpu.memory_space<vmem>>) dst(%dma_wait3A_68 : memref<100000x128xf32, #tpu.memory_space<hbm>>)
    %dma_wait3A_69 = arith.constant 256 : i32
    %dma_wait3A_70 = arith.constant 0 : i32
    %dma_wait3A_71 = tpu.memref_slice %arg8[%dma_wait3A_69, %dma_wait3A_70] : memref<512x128xf32, #tpu.memory_space<vmem>> -> memref<256x128xf32, #tpu.memory_space<vmem>>
    %dma_wait3A_72 = arith.constant 0 : i32
    %dma_wait3A_73 = arith.constant 0 : i32
    %dma_wait3A_74 = tpu.memref_slice %arg2[%dma_wait3A_72, %dma_wait3A_73] : memref<100000x128xf32, #tpu.memory_space<hbm>> -> memref<100000x128xf32, #tpu.memory_space<hbm>>
    tpu.wait_indirect_dma semaphore(%arg10 : memref<!tpu.dma_semaphore, #tpu.memory_space<semaphore_mem>>) src(%dma_wait3A_71 : memref<256x128xf32, #tpu.memory_space<vmem>>) dst(%dma_wait3A_74 : memref<100000x128xf32, #tpu.memory_space<hbm>>)
    return
  }
}

module attributes {stable_mosaic.version = 14 : i64} {
  func.func @tracklet_mem_copy(%arg0: i32, %arg1: memref<4000x128xf32, #tpu.memory_space<vmem>>, %arg2: memref<4000x128xf32, #tpu.memory_space<vmem>>) attributes {dimension_semantics = [#tpu.dimension_semantics<arbitrary>], iteration_bounds = array<i64: 25>, scalar_prefetch = 0 : i64, scratch_operands = 0 : i64, tpu.core_type = #tpu.core_type<tc>, window_params = [{transform_indices = @transform_0, window_bounds = array<i64: 4000, 128>}, {transform_indices = @transform_1, window_bounds = array<i64: 4000, 128>}]} {
    %get3A = arith.constant 0 : index
    %get3A_0 = arith.constant 0 : index
    %get3A_1 = vector.load %arg1[%get3A, %get3A_0] : memref<4000x128xf32, #tpu.memory_space<vmem>>, vector<4000x128xf32>
    %swap3A = arith.constant 0 : index
    %swap3A_2 = arith.constant 0 : index
    %swap3A_3 = vector.load %arg2[%swap3A, %swap3A_2] : memref<4000x128xf32, #tpu.memory_space<vmem>>, vector<4000x128xf32>
    tpu.vector_store %arg2[%swap3A, %swap3A_2], %get3A_1 {strides = array<i32>} : memref<4000x128xf32, #tpu.memory_space<vmem>>, vector<4000x128xf32>,
    return
  }
  func.func @transform_0(%arg0: i32) -> (i32, i32) {
    %c0_i32 = arith.constant 0 : i32
    %c0_i32_0 = arith.constant 0 : i32
    return %arg0, %c0_i32 : i32, i32
  }
  func.func @transform_1(%arg0: i32) -> (i32, i32) {
    %c0_i32 = arith.constant 0 : i32
    %c0_i32_0 = arith.constant 0 : i32
    return %arg0, %c0_i32 : i32, i32
  }
}

</mosaic_0001>

<sc_bundles>
// kernel: tracklet_obs_ids_frame.3.cloned.1.call-start
scs
__scs_entry_jumppad:
0x0: {  	(pc) =	sbr.rel $0x88, $3  }
0x1: {  	(tag) =	ssettag $0x0;
	lr =	simm.s32 $0x1  }
0x2: {  	[smem:$0x3F9C] =	sst lr;
	_ =	strace $0xD0000000  }
0x3: {  	_ = 	snop  }
0x4: {  	_ = 	snop  }
0x5: {  	_ = 	snop  }
0x6: {  	_ = 	snop  }
0x7: {  	_ = 	snop  }
__scs_overlays_trampoline_lowered:
0x8: {  	[smem:$0x3FAB] =	sst s0  }
0x9: {  	[smem:$0x3FAC] =	sst s1  }
0xa: {  	[smem:$0x3FAD] =	sst s2  }
0xb: {  	[smem:$0x3FAE] =	sst s3  }
0xc: {  	[smem:$0x3FAF] =	sst s4  }
0xd: {  	[smem:$0x3FB0] =	sst s5  }
0xe: {  	[smem:$0x3FB1] =	sst s6  }
0xf: {  	[smem:$0x3FB2] =	sst s7  }
0x10: {  	[smem:$0x3FB3] =	sst s8  }
0x11: {  	[smem:$0x3FB4] =	sst s9;
	s0 =	simm.s32 @!p0 $0x0  }
0x12: {  	s1 =	sld [smem:$0x3F9A];
	s0 =	simm.s32 @p0 $0x1  }
0x13: {  	[smem:$0x3FB5] =	sst s0;
	s0 =	simm.s32 @!p1 $0x0  }
0x14: {  	s2 =	sld [smem:$0x3F99];
	s0 =	simm.s32 @p1 $0x1  }
0x15: {  	[smem:$0x3FB6] =	sst s0;
	s0 =	simm.s32 @!p2 $0x0  }
0x16: {  	s3 =	sld [smem:$0x3FDB];
	s0 =	simm.s32 @p2 $0x1  }
0x17: {  	s4 =	simm.s32 $0x1BF5;
	[smem:$0x3FB8] =	sst s0  }
0x18: {  	s0 =	sld [smem:$0x3F9B];
	_ =	swait.ge [sflag:s4], $0x0  }
0x19: {  	s7 =	sld [smem:$0x3F9C]  }
0x1a: {  	s8 =	sadd.s32 $0xFFFFE003, lr  }
0x1b: {  	s9 =	sadd.s32 $0xFFFFFEF7, lr;
	s5 =	simm.s32 $0xFFFFFFFF;
	p2 =	slt.u32 s8, $0xFFFFF086  }
0x1c: {  	p1 =	slt.u32 s9, $0xF7A;
	s5 =	simm.s32 @!p2 $0x0  }
0x1d: {  	s5 =	simm.s32 @p1 $0x1;
	p0 =	seq.s32 s7, s2  }
0x1e: {  	s7 =	smul.u32 @!p0 $0xF7A, s2;
	p2 =	seq.s32 @!p0 s5, $0x0  }
0x1f: {  	s9 =	smul.u32 $0xF7A, s1;
	s8 =	simm.s32 @!p0 $0x1BF5;
	p2 =	por !p2, p0  }
0x20: {  	[sflag:s8] =	ssyncset.s32 @!p0 $0xFFFFF086;
	s6 =	sadd.s32 @!p0 s3, s7;
	s7 =	simm.s32 @!p0 $0x108  }
0x21: {  	s3 =	sadd.s32 s3, s9;
	s6 =	sadd.s32 @!p0 $0x88, s6;
	s7 =	simm.s32 @p2 $0x1082  }
0x22: {  	[simem:s7], [sflag:s8] =	dma.local @!p0 [hbm:s6], $0xF7A  }
0x23: {  	s9 =	sor.u32 $0xD0000000, s2;
	s6 =	simm.s32 $0x108;
	_ =	swait.ge @!p0 [sflag:s8], $0x0  }
0x24: {  	s3 =	sadd.s32 $0x88, s3;
	s6 =	simm.s32 @!p1 $0x1082;
	[sflag:s4] =	ssyncset.s32 $0xFFFFF086  }
0x25: {  	[simem:s6], [sflag:s4] =	dma.local [hbm:s3], $0xF7A  }
0x26: {  	[smem:$0x3F9C] =	sst s1;
	(tag) =	ssettag s2;
	_ =	strace s9  }
0x27: {  	s1 =	sld [smem:$0x3FAC]  }
0x28: {  	s2 =	sld [smem:$0x3FAD]  }
0x29: {  	s4 =	sld [smem:$0x3FAF]  }
0x2a: {  	p0 =	seq.s32 s5, $0x0;
	s5 =	sld [smem:$0x3FB0]  }
0x2b: {  	s6 =	sld [smem:$0x3FB1]  }
0x2c: {  	s7 =	sld [smem:$0x3FB2]  }
0x2d: {  	s3 =	simm.s32 $0x108;
	s8 =	sld [smem:$0x3FB3]  }
0x2e: {  	s3 =	simm.s32 @!p0 $0x1082;
	s9 =	sld [smem:$0x3FB4]  }
0x2f: {  	lr =	sadd.s32 s0, s3;
	s0 =	sld [smem:$0x3FAB]  }
0x30: {  	s3 =	sld [smem:$0x3FAE]  }
0x31: {  	[smem:$0x3FB7] =	sst s10  }
0x32: {  	s10 =	sld [smem:$0x3FB5];
	_ =	sdelay $0x3  }
0x33: {  	p0 =	seq.s32 s10, $0x1;
	s10 =	sld [smem:$0x3FB7];
	_ =	sdelay $0x3  }
0x34: {  	[smem:$0x3FB7] =	sst s10  }
0x35: {  	s10 =	sld [smem:$0x3FB6];
	_ =	sdelay $0x3  }
0x36: {  	p1 =	seq.s32 s10, $0x1;
	s10 =	sld [smem:$0x3FB7];
	_ =	sdelay $0x3  }
0x37: {  	[smem:$0x3FB7] =	sst s10  }
0x38: {  	s10 =	sld [smem:$0x3FB8]  }
0x39: {  	_ = 	snop;
	(pc) =	sbr.ind lr, $3  }
0x3a: {  	_ = 	snop  }
0x3b: {  	_ = 	snop  }
0x3c: {  	p2 =	seq.s32 s10, $0x1;
	s10 =	sld [smem:$0x3FB7]  }
0x3d: {  	_ =	shalt  }
0x3e: {  	_ =	shalt  }
0x3f: {  	_ =	shalt  }
0x40: {  	_ =	shalt  }
0x41: {  	_ =	shalt  }
0x42: {  	_ =	shalt  }
0x43: {  	_ =	shalt  }
0x44: {  	_ =	shalt  }
0x45: {  	_ =	shalt  }
0x46: {  	_ =	shalt  }
0x47: {  	_ =	shalt  }
0x48: {  	_ =	shalt  }
0x49: {  	_ =	shalt  }
0x4a: {  	_ =	shalt  }
0x4b: {  	_ =	shalt  }
0x4c: {  	_ =	shalt  }
0x4d: {  	_ =	shalt  }
0x4e: {  	_ =	shalt  }
0x4f: {  	_ =	shalt  }
0x50: {  	_ =	shalt  }
0x51: {  	_ =	shalt  }
0x52: {  	_ =	shalt  }
0x53: {  	_ =	shalt  }
0x54: {  	_ =	shalt  }
0x55: {  	_ =	shalt  }
0x56: {  	_ =	shalt  }
0x57: {  	_ =	shalt  }
0x58: {  	_ =	shalt  }
0x59: {  	_ =	shalt  }
0x5a: {  	_ =	shalt  }
0x5b: {  	_ =	shalt  }
0x5c: {  	_ =	shalt  }
0x5d: {  	_ =	shalt  }
0x5e: {  	_ =	shalt  }
0x5f: {  	_ =	shalt  }
0x60: {  	_ =	shalt  }
0x61: {  	_ =	shalt  }
0x62: {  	_ =	shalt  }
0x63: {  	_ =	shalt  }
0x64: {  	_ =	shalt  }
0x65: {  	_ =	shalt  }
0x66: {  	_ =	shalt  }
0x67: {  	_ =	shalt  }
0x68: {  	_ =	shalt  }
0x69: {  	_ =	shalt  }
0x6a: {  	_ =	shalt  }
0x6b: {  	_ =	shalt  }
0x6c: {  	_ =	shalt  }
0x6d: {  	_ =	shalt  }
0x6e: {  	_ =	shalt  }
0x6f: {  	_ =	shalt  }
0x70: {  	_ =	shalt  }
0x71: {  	_ =	shalt  }
0x72: {  	_ =	shalt  }
0x73: {  	_ =	shalt  }
0x74: {  	_ =	shalt  }
0x75: {  	_ =	shalt  }
0x76: {  	_ =	shalt  }
0x77: {  	_ =	shalt  }
0x78: {  	_ =	shalt  }
0x79: {  	_ =	shalt  }
0x7a: {  	_ =	shalt  }
0x7b: {  	_ =	shalt  }
0x7c: {  	_ =	shalt  }
0x7d: {  	_ =	shalt  }
0x7e: {  	_ =	shalt  }
0x7f: {  	_ =	shalt  }
0x80: {  	_ =	shalt  }
0x81: {  	_ =	shalt  }
0x82: {  	_ =	shalt  }
0x83: {  	_ =	shalt  }
0x84: {  	_ =	shalt  }
0x85: {  	_ =	shalt  }
0x86: {  	_ =	shalt  }
0x87: {  	_ =	shalt  }
.Lfunc_end0:
.L_simem_size_0:
called_computation_lowered:
.L_overlay_start_0:
0x88: {  	s2 =	sld [smem:$0x3FD9]  }
0x89: {  	s3 =	sld [smem:$0x3FFE];
	_ =	sdelay $0x1  }
0x8a: {  	s1 =	srdreg.scid  }
0x8b: {  	s0 =	sand.u32 $0x1, s1  }
0x8c: {  	s14 =	sshll.u32 s0, $0xA;
	s2 =	sadd.s32 s3, s2  }
0x8d: {  	s2 =	sadd.s32 s2, s14  }
0x8e: {  	[smem:$0x3FC3] =	sst s2  }
0x8f: {  	_ = 	snop  }
0x90: {  	s2 =	sld [smem:$0x3FD0];
	_ =	sdelay $0x1  }
0x91: {  	s15 =	sld [smem:$0x3FC8]  }
0x92: {  	s5 =	simm.s32 $0xA;
	s6 =	simm.s32 $0x10;
	s4 =	sld [smem:$0x3FC6]  }
0x93: {  	[smem:s6], [sflag:s5] =	dma.local [hbm:s2], $0x1  }
0x94: {  	_ =	swait.eq [sflag:s5], $0x1  }
0x95: {  	s16 =	sld [smem:$0x11];
	[sflag:s5] =	ssyncset.done $0x0  }
0x96: {  	s17 =	sld [smem:$0x12];
	[sflag:s5] =	ssyncadd.s32 $0xFFFFFFFF  }
0x97: {  	s18 =	sld [smem:$0x13];
	(tm) =	ssettm $0x1  }
0x98: {  	s7 =	sld [smem:$0x3FFB];
	_ =	sdelay $0x3  }
0x99: {  	_ =	strace s7  }
0x9a: {  	s7 =	sld [smem:$0x3FFC];
	_ =	sdelay $0x3  }
0x9b: {  	_ =	strace s7  }
0x9c: {  	s7 =	sld [smem:$0x3FFD];
	_ =	sdelay $0x3  }
0x9d: {  	_ =	strace s7  }
0x9e: {  	_ =	strace $0x8FFFFFFF  }
0x9f: {  	s19 =	sld [smem:$0x3FDB];
	_ =	sdelay $0x1  }
0xa0: {  	s8 =	simm.s32 $_scs_section_size  }
0xa1: {  	s9 =	simm.s32 $_size__tile_overlayer_lowered;
	s10 =	simm.s32 $_tile_overlayer_lowered  }
0xa2: {  	s22 =	simm.s32 $0x1BFF;
	s21 =	sshll.u32 s10, $0x1;
	s7 =	sadd.s32 s8, s19  }
0xa3: {  	s11 =	simm.s32 $0x0;
	s20 =	sshll.u32 s9, $0x1;
	s9 =	sadd.s32 s21, s7  }
0xa4: {  	[timem:s11], [sflag:s22] =	dma.local [hbm:s9], s20  }
0xa5: {  	_ =	swait.ge [sflag:s22], s20  }
0xa6: {  	s8 =	ssub.s32 $0x0, s20;
	[sflag:s22] =	ssyncset.done $0x0  }
0xa7: {  	[sflag:s22] =	ssyncadd.s32 s8;
	_ =	sdelay $0x1  }
0xa8: {  	s23 =	simm.s32 $0x1B8B  }
0xa9: {  	_ =	swait.ge [sflag:s23], $0x1  }
0xaa: {  	[sflag:s23] =	ssyncset.done $0x0  }
0xab: {  	s25 =	simm.s32 $0x1B8E;
	s24 =	sld [smem:$0x3FFE];
	[sflag:s23] =	ssyncadd.s32 $0xFFFFFFFF  }
0xac: {  	s26 =	simm.s32 $execute0_lowered;
	[smem:$0x3FD2] =	sst s25  }
0xad: {  	s9 =	sshll.u32 s26, $0x1;
	_ =	strace $0x80000046;
	[dreg:$0x1] =	wrdreg $0xFFFFFFFF  }
0xae: {  	s28 =	simm.s32 $_size_execute0_lowered;
	s7 =	sadd.s32 s7, s9;
	[dreg:$0x0] =	wrdreg $0x0  }
0xaf: {  	s9 =	sshll.u32 s28, $0x1;
	[dreg:$0x2] =	wrdreg s7  }
0xb0: {  	[dreg:$0x3] =	wrdreg s9  }
0xb1: {  	[dreg:$0x4] =	wrdreg $0xC0  }
0xb2: {  	_ =	task [dreg:s11], $0x5FFFF  }
0xb3: {  	[dreg:$0x1] =	wrdreg $0xFFFFFFFF  }
0xb4: {  	[dreg:$0x0] =	wrdreg $0x60  }
0xb5: {  	[dreg:$0x2] =	wrdreg s16  }
0xb6: {  	[dreg:$0x3] =	wrdreg s15  }
0xb7: {  	[dreg:$0x4] =	wrdreg s4  }
0xb8: {  	[dreg:$0x5] =	wrdreg s24  }
0xb9: {  	[dreg:$0x6] =	wrdreg s17  }
0xba: {  	[dreg:$0x7] =	wrdreg s18  }
0xbb: {  	[dreg:$0x8] =	wrdreg $0x17BF00  }
0xbc: {  	[dreg:$0x9] =	wrdreg $0x163800  }
0xbd: {  	[dreg:$0xa] =	wrdreg $0x9  }
0xbe: {  	_ =	task.clear_ibuf [dreg:s11], $0xBFFFF;
	_ =	strace $0x90000046  }
0xbf: {  	s29 =	simm.s32 $0x9;
	_ =	strace $0x80000048  }
0xc0: {  	_ =	swait.ge [sflag:s29], $0x1  }
0xc1: {  	[sflag:s29] =	ssyncadd.s32 $0xFFFFFFFF  }
0xc2: {  	_ =	strace $0x90000048  }
0xc3: {  	_ =	sfence  }
0xc4: {  	s30 =	sld [smem:$0x0];
	_ =	sdelay $0x2  }
0xc5: {  	s31 =	sshll.u32 s1, $0xD;
	s1 =	sshrl.u32 s1, $0x2  }
0xc6: {  	s3 =	sand.u32 $0x4000, s31;
	s1 =	sadd.s32 s1, s30  }
0xc7: {  	s0 =	sor.u32 s3, s0;
	s1 =	sshll.u32 s1, $0x11  }
0xc8: {  	s0 =	sor.u32 s1, s0  }
0xc9: {  	s0 =	sadd.s32 $0x8F2B, s0  }
0xca: {  	[sflag:s0] =	ssyncadd.remote.s32 $0x1  }
0xcb: {  	_ =	sfence.sel $0xFFFF  }
0xcc: {  	[dreg:$0x0] =	wrdreg $0xFFFFFFFF;
	(pc) =	sbr.abs _section_cstart, $3  }
0xcd: {  	[dreg:$0x1] =	wrdreg $0xFFFFFFFF  }
0xce: {  	_ =	task.clear_ibuf [dreg:s11], $0x2FFFF;
	_ =	strace $0x9FFFFFFF  }
0xcf: {  	(tm) =	ssettm $0x7FFFFFFF  }
tec
execute0_lowered:
.L_overlay_start_1:
0x0: {  	(tag) =	ssettag $0x1  }
0x1: {  	s1 =	rddreg [dreg:$0x1]  }
0x2: {  	s0 =	rddreg [dreg:$0x2]  }
0x3: {  	s2 =	rddreg [dreg:$0x3]  }
0x4: {  	s3 =	rddreg [dreg:$0x4]  }
0x5: {  	s4 =	rddreg [dreg:$0x5];
	v0 =	vimm.s32 $0x8000000E;
	vm0 =	vcmask $0x300  }
0x6: {  	s14 =	rddreg [dreg:$0x6];
	v0 =	vsel vm0, $0x8000000F, v0;
	vm0 =	vcmask $0x704  }
0x7: {  	s15 =	rddreg [dreg:$0x7];
	s18 =	simm.s32 $0x400;
	v0 =	vsel vm0, $0x80000000, v0;
	vm0 =	vcmask $0xB08  }
0x8: {  	s5 =	simm.s32 $0x0;
	s20 =	simm.s32 $0x200;
	s22 =	simm.s32 $0x4600;
	v0 =	vsel vm0, $0x80000001, v0;
	vm0 =	vcmask $0xF0C  }
0x9: {  	s6 =	srdreg.scid;
	s24 =	simm.s32 $0x4680;
	s29 =	simm.s32 $0x6100;
	v0 =	vsel vm0, $0x80000002, v0;
	vm0 =	vcmask $0x1310  }
0xa: {  	s11 =	stileid.u32;
	s31 =	simm.s32 $0xE100;
	[smem:$0x7FF] =	sst s5;
	v0 =	vsel vm0, $0x80000003, v0;
	vm0 =	vcmask $0x1714  }
0xb: {  	s17 =	simm.s32 $0x4;
	s7 =	sadd.s32 $0xC00, s2;
	s9 =	sshll.u32 s11, $0x9;
	v0 =	vsel vm0, $0x80000004, v0;
	vm0 =	vcmask $0x1B18  }
0xc: {  	s28 =	simm.s32 $0x100;
	s13 =	sshll.u32 s11, $0xA;
	s30 =	smul.u32 $0x1870, s11;
	v0 =	vsel vm0, $0x80000005, v0;
	vm0 =	vcmask $0x1F1C  }
0xd: {  	s6 =	sand.u32 $0x1, s6;
	s26 =	sshll.u32 s11, $0x7;
	_ =	strace $0x80000047;
	v0 =	vsel vm0, $0x80000006, v0;
	vm0 =	vcmask $0x2320  }
0xe: {  	s25 =	ssub.s32 $0x2, s6;
	s6 =	sshll.u32 s6, $0xD;
	s11 =	sadd.s32 $0x600, s13;
	v0 =	vsel vm0, $0x80000007, v0;
	vm0 =	vcmask $0x2724  }
0xf: {  	s13 =	sadd.s32 s13, s14;
	s8 =	sshrl.u32 s25, $0x1;
	s6 =	sor.u32 s9, s6;
	v0 =	vsel vm0, $0x80000008, v0;
	vm0 =	vcmask $0x2B28  }
0x10: {  	s14 =	sadd.s32 s30, s15;
	s2 =	ssub.s32 s25, s8;
	s8 =	sadd.s32 s0, s26;
	v0 =	vsel vm0, $0x80000009, v0;
	vm0 =	vcmask $0x2F2C  }
0x11: {  	s10 =	sshrl.u32 s6, $0x3;
	s6 =	sshll.u32 s6, $0x4;
	s25 =	simm.s32 $0x5F00;
	v0 =	vsel vm0, $0x8000000A, v0;
	vm0 =	vcmask $0x3330  }
0x12: {  	v1 =	vlaneseq.u32;
	s26 =	simm.s32 $0x1;
	s9 =	sadd.s32 s0, s10;
	s10 =	sadd.s32 s3, s10;
	v0 =	vsel vm0, $0x8000000B, v0;
	vm0 =	vcmask $0x3734  }
0x13: {  	v3 =	vimm.s32 $0x0;
	s12 =	sadd.s32 s4, s6;
	s16 =	smax.u32 s2, $0x1;
	s2 =	simm.s32 $0x2;
	v2 =	vsel vm0, $0x8000000C, v0;
	vm0 =	vcmask $0x3B38  }
0x14: {  	s6 =	simm.s32 $0x3;
	s0 =	simm.s32 $0x0;
	s15 =	sadd.s32 $0x1000, s12;
	v0 =	vmov s30;
	v2 =	vsel vm0, $0x8000000D, v2;
	vm0 =	vcmask $0x3F3C  }
.LBB2_1:
0x15: {  	[tilespmem:s5], [sflag:$0x4] =	stream.linear.gather [hbm4b:s8+s5], $0x400, $0x38;
	[tilespmem:$0x17FF0] =	vst v63  }
0x16: {  	_ =	swait.ge [sflag:s17], $0x400  }
0x17: {  	[sflag:s17] =	ssyncset.done $0x0  }
0x18: {  	[sflag:s17] =	ssyncadd.s32 $0xFFFFFC00  }
0x19: {  	[tilespmem:s18], [sflag:$0x4] =	stream.linear.gather [hbm4b:s9+s5], $0x200, $0x38;
	[tilespmem:$0x17FF0] =	vst v63  }
0x1a: {  	_ =	swait.ge [sflag:s17], $0x200  }
0x1b: {  	[sflag:s17] =	ssyncset.done $0x0  }
0x1c: {  	s3 =	simm.s32 $0x16300;
	[sflag:s17] =	ssyncadd.s32 $0xFFFFFE00  }
0x1d: {  	[tilespmem:s3], [sflag:$0x4] =	stream.linear.gather [hbm4b:s7+s5], $0x80, $0x38;
	[tilespmem:$0x17FF0] =	vst v63  }
0x1e: {  	_ =	swait.ge [sflag:s17], $0x80  }
0x1f: {  	[sflag:s17] =	ssyncset.done $0x0  }
0x20: {  	[sflag:s17] =	ssyncadd.s32 $0xFFFFFF80  }
0x21: {  	v4 =	vld [tilespmem:$0x16300];
	_ =	sdelay $0x4  }
0x22: {  	[tilespmem:$0x16100] =	vst v4  }
0x23: {  	[tilespmem:$0x16110] =	vst v4  }
0x24: {  	[tilespmem:$0x16120] =	vst v4  }
0x25: {  	[tilespmem:$0x16130] =	vst v4  }
0x26: {  	[tilespmem:$0x16140] =	vst v4  }
0x27: {  	[tilespmem:$0x16150] =	vst v4  }
0x28: {  	[tilespmem:$0x16160] =	vst v4  }
0x29: {  	[tilespmem:$0x16170] =	vst v4  }
0x2a: {  	[tilespmem:$0x16180] =	vst v4  }
0x2b: {  	[tilespmem:$0x16190] =	vst v4  }
0x2c: {  	[tilespmem:$0x161A0] =	vst v4  }
0x2d: {  	[tilespmem:$0x161B0] =	vst v4  }
0x2e: {  	[tilespmem:$0x161C0] =	vst v4  }
0x2f: {  	[tilespmem:$0x161D0] =	vst v4  }
0x30: {  	[tilespmem:$0x161E0] =	vst v4  }
0x31: {  	[tilespmem:$0x161F0] =	vst v4  }
0x32: {  	[tilespmem:$0x16200] =	vst v4  }
0x33: {  	[tilespmem:$0x16210] =	vst v4  }
0x34: {  	[tilespmem:$0x16220] =	vst v4  }
0x35: {  	[tilespmem:$0x16230] =	vst v4  }
0x36: {  	[tilespmem:$0x16240] =	vst v4  }
0x37: {  	[tilespmem:$0x16250] =	vst v4  }
0x38: {  	[tilespmem:$0x16260] =	vst v4  }
0x39: {  	[tilespmem:$0x16270] =	vst v4  }
0x3a: {  	[tilespmem:$0x16280] =	vst v4  }
0x3b: {  	[tilespmem:$0x16290] =	vst v4  }
0x3c: {  	[tilespmem:$0x162A0] =	vst v4  }
0x3d: {  	[tilespmem:$0x162B0] =	vst v4  }
0x3e: {  	[tilespmem:$0x162C0] =	vst v4  }
0x3f: {  	[tilespmem:$0x162D0] =	vst v4  }
0x40: {  	[tilespmem:$0x162E0] =	vst v4  }
0x41: {  	[tilespmem:$0x162F0] =	vst v4  }
0x42: {  	[hbm4b:s10+s5] =	stream.linear.scatter [tilespmem:s18], [sflag:$0x3], $0x200, $0x38;
	[tilespmem:$0x17FF0] =	vst v63  }
0x43: {  	s4 =	simm.s32 $0x16100;
	s3 =	simm.s32 $0x20;
	s19 =	rddreg [dreg:$0x0]  }
0x44: {  	[hbm4b:s19+s20] =	stream.indirect.scatter [tilespmem:s4], [sflag:$0x3], $0x1, s18, s20, $0xb8;
	[tilespmem:$0x17FF0] =	vst v63  }
0x45: {  	v4 =	vld [tilespmem:s3+$0xFFFFFFE0];
	_ =	sdelay $0x4  }
0x46: {  	v5 =	vshll.u32 v4, $0x4  }
0x47: {  	v5 =	vor.u32 v1, v5  }
0x48: {  	(xrf1) =	vsort.ascd.msk.u32 $0xffff, v5, v5;
	_ =	sdelay $0xd  }
0x49: {  	v5, _, _ =	vpop (xrf1)  }
0x4a: {  	(xrf1) =	vsort.ascd.msk.u32 $0xffff, v2, v5;
	_ =	sdelay $0xd  }
0x4b: {  	v6 =	vand.u32 $0xF, v5;
	_, v7, _ =	vpop (xrf1)  }
0x4c: {  	v5 =	vxor.u32 v5, v7  }
0x4d: {  	vm1 =	vgt.u32 v5, $0xF  }
0x4e: {  	vm1 =	vmor vm1, vm0  }
0x4f: {  	v5 =	vsel vm1, $0x1, v3  }
0x50: {  	[tilespmem:v6+s22+$0x0] =	vst.idx.msk $0xffff, v5  }
0x51: {  	v5 =	vld [tilespmem:$0x4600];
	_ =	sdelay $0x2  }
0x52: {  	s21 =	simm.s32 $0x0  }
0x53: {  	s19 =	sand.u32 $0x380, s21  }
0x54: {  	s4 =	sand.u32 $0x40, s21;
	s21 =	sadd.s32 s19, s11;
	vm1 =	veq.s32 v5, $0x0  }
0x55: {  	s4 =	sadd.s32 s4, s21;
	v4 =	vsel vm1, $0x40000000, v4  }
0x56: {  	[tilespmem:s4+$0x0] =	vst v4  }
0x57: {  	v4 =	vld [tilespmem:s3+$0xFFFFFFF0];
	_ =	sdelay $0x4  }
0x58: {  	v5 =	vshll.u32 v4, $0x4  }
0x59: {  	v5 =	vor.u32 v1, v5  }
0x5a: {  	(xrf1) =	vsort.ascd.msk.u32 $0xffff, v5, v5;
	_ =	sdelay $0xd  }
0x5b: {  	v5, _, _ =	vpop (xrf1)  }
0x5c: {  	(xrf1) =	vsort.ascd.msk.u32 $0xffff, v2, v5;
	_ =	sdelay $0xd  }
0x5d: {  	v6 =	vand.u32 $0xF, v5;
	_, v7, _ =	vpop (xrf1)  }
0x5e: {  	v5 =	vxor.u32 v5, v7  }
0x5f: {  	vm1 =	vgt.u32 v5, $0xF  }
0x60: {  	vm1 =	vmor vm1, vm0  }
0x61: {  	v5 =	vsel vm1, $0x1, v3  }
0x62: {  	[tilespmem:v6+s22+$0x0] =	vst.idx.msk $0xffff, v5  }
0x63: {  	v5 =	vld [tilespmem:$0x4600];
	_ =	sdelay $0x3  }
0x64: {  	s23 =	simm.s32 $0x10  }
0x65: {  	s4 =	sand.u32 $0x50, s23;
	vm1 =	veq.s32 v5, $0x0  }
0x66: {  	s4 =	sadd.s32 s4, s21;
	v4 =	vsel vm1, $0x40000000, v4  }
0x67: {  	[tilespmem:s4+$0x0] =	vst v4  }
0x68: {  	v4 =	vld [tilespmem:s3+$0x0];
	_ =	sdelay $0x4  }
0x69: {  	v5 =	vshll.u32 v4, $0x4  }
0x6a: {  	v5 =	vor.u32 v1, v5  }
0x6b: {  	(xrf1) =	vsort.ascd.msk.u32 $0xffff, v5, v5;
	_ =	sdelay $0xd  }
0x6c: {  	v5, _, _ =	vpop (xrf1)  }
0x6d: {  	(xrf1) =	vsort.ascd.msk.u32 $0xffff, v2, v5;
	_ =	sdelay $0xd  }
0x6e: {  	v6 =	vand.u32 $0xF, v5;
	_, v7, _ =	vpop (xrf1)  }
0x6f: {  	v5 =	vxor.u32 v5, v7  }
0x70: {  	vm1 =	vgt.u32 v5, $0xF  }
0x71: {  	vm1 =	vmor vm1, vm0  }
0x72: {  	v5 =	vsel vm1, $0x1, v3  }
0x73: {  	[tilespmem:v6+s22+$0x0] =	vst.idx.msk $0xffff, v5  }
0x74: {  	v5 =	vld [tilespmem:$0x4600];
	_ =	sdelay $0x3  }
0x75: {  	s30 =	simm.s32 $0x20  }
0x76: {  	s4 =	sand.u32 $0x60, s30;
	vm1 =	veq.s32 v5, $0x0  }
0x77: {  	s4 =	sadd.s32 s4, s21;
	v4 =	vsel vm1, $0x40000000, v4  }
0x78: {  	[tilespmem:s4+$0x0] =	vst v4  }
0x79: {  	v4 =	vld [tilespmem:s3+$0x10];
	_ =	sdelay $0x4  }
0x7a: {  	v5 =	vshll.u32 v4, $0x4  }
0x7b: {  	v5 =	vor.u32 v1, v5  }
0x7c: {  	(xrf1) =	vsort.ascd.msk.u32 $0xffff, v5, v5;
	_ =	sdelay $0xd  }
0x7d: {  	v5, _, _ =	vpop (xrf1)  }
0x7e: {  	(xrf1) =	vsort.ascd.msk.u32 $0xffff, v2, v5;
	_ =	sdelay $0xd  }
0x7f: {  	v6 =	vand.u32 $0xF, v5;
	_, v7, _ =	vpop (xrf1)  }
0x80: {  	v5 =	vxor.u32 v5, v7  }
0x81: {  	vm1 =	vgt.u32 v5, $0xF  }
0x82: {  	vm1 =	vmor vm1, vm0  }
0x83: {  	v5 =	vsel vm1, $0x1, v3  }
0x84: {  	[tilespmem:v6+s22+$0x0] =	vst.idx.msk $0xffff, v5  }
0x85: {  	v5 =	vld [tilespmem:$0x4600];
	_ =	sdelay $0x3  }
0x86: {  	s4 =	simm.s32 $0x30  }
0x87: {  	s23 =	sand.u32 $0x70, s4;
	vm1 =	veq.s32 v5, $0x0  }
0x88: {  	s19 =	simm.s32 $0x0;
	s21 =	sadd.s32 s23, s21;
	v4 =	vsel vm1, $0x40000000, v4  }
.LBB2_2:
0x89: {  	s19 =	sadd.s32 $0x4, s19;
	[tilespmem:s21+$0x0] =	vst v4;
	s4 =	sadd.s32 $0x40, s4;
	s3 =	sadd.s32 $0x40, s3  }
0x8a: {  	v4 =	vld [tilespmem:s3+$0xFFFFFFE0];
	p0 =	slt.u32 s19, $0x3C;
	_ =	sdelay $0x4  }
0x8b: {  	v5 =	vshll.u32 v4, $0x4  }
0x8c: {  	v5 =	vor.u32 v1, v5  }
0x8d: {  	(xrf1) =	vsort.ascd.msk.u32 $0xffff, v5, v5;
	_ =	sdelay $0xd  }
0x8e: {  	v5, _, _ =	vpop (xrf1)  }
0x8f: {  	(xrf1) =	vsort.ascd.msk.u32 $0xffff, v2, v5;
	_ =	sdelay $0xd  }
0x90: {  	v6 =	vand.u32 $0xF, v5;
	_, v7, _ =	vpop (xrf1)  }
0x91: {  	v5 =	vxor.u32 v5, v7  }
0x92: {  	vm1 =	vgt.u32 v5, $0xF  }
0x93: {  	vm1 =	vmor vm1, vm0  }
0x94: {  	v5 =	vsel vm1, $0x1, v3  }
0x95: {  	[tilespmem:v6+s22+$0x0] =	vst.idx.msk $0xffff, v5  }
0x96: {  	v5 =	vld [tilespmem:$0x4600];
	_ =	sdelay $0x2  }
0x97: {  	s21 =	sadd.s32 $0xFFFFFFD0, s4  }
0x98: {  	s23 =	sand.u32 $0x380, s21  }
0x99: {  	s30 =	sand.u32 $0x40, s21;
	s21 =	sadd.s32 s23, s11;
	vm1 =	veq.s32 v5, $0x0  }
0x9a: {  	s23 =	sadd.s32 s30, s21;
	v4 =	vsel vm1, $0x40000000, v4  }
0x9b: {  	[tilespmem:s23+$0x0] =	vst v4  }
0x9c: {  	v4 =	vld [tilespmem:s3+$0xFFFFFFF0];
	_ =	sdelay $0x4  }
0x9d: {  	v5 =	vshll.u32 v4, $0x4  }
0x9e: {  	v5 =	vor.u32 v1, v5  }
0x9f: {  	(xrf1) =	vsort.ascd.msk.u32 $0xffff, v5, v5;
	_ =	sdelay $0xd  }
0xa0: {  	v5, _, _ =	vpop (xrf1)  }
0xa1: {  	(xrf1) =	vsort.ascd.msk.u32 $0xffff, v2, v5;
	_ =	sdelay $0xd  }
0xa2: {  	v6 =	vand.u32 $0xF, v5;
	_, v7, _ =	vpop (xrf1)  }
0xa3: {  	v5 =	vxor.u32 v5, v7  }
0xa4: {  	vm1 =	vgt.u32 v5, $0xF  }
0xa5: {  	vm1 =	vmor vm1, vm0  }
0xa6: {  	v5 =	vsel vm1, $0x1, v3  }
0xa7: {  	[tilespmem:v6+s22+$0x0] =	vst.idx.msk $0xffff, v5  }
0xa8: {  	v5 =	vld [tilespmem:$0x4600];
	_ =	sdelay $0x3  }
0xa9: {  	s23 =	sadd.s32 $0xFFFFFFE0, s4  }
0xaa: {  	s23 =	sand.u32 $0x50, s23;
	vm1 =	veq.s32 v5, $0x0  }
0xab: {  	s23 =	sadd.s32 s23, s21;
	v4 =	vsel vm1, $0x40000000, v4  }
0xac: {  	[tilespmem:s23+$0x0] =	vst v4  }
0xad: {  	v4 =	vld [tilespmem:s3+$0x0];
	_ =	sdelay $0x4  }
0xae: {  	v5 =	vshll.u32 v4, $0x4  }
0xaf: {  	v5 =	vor.u32 v1, v5  }
0xb0: {  	(xrf1) =	vsort.ascd.msk.u32 $0xffff, v5, v5;
	_ =	sdelay $0xd  }
0xb1: {  	v5, _, _ =	vpop (xrf1)  }
0xb2: {  	(xrf1) =	vsort.ascd.msk.u32 $0xffff, v2, v5;
	_ =	sdelay $0xd  }
0xb3: {  	v6 =	vand.u32 $0xF, v5;
	_, v7, _ =	vpop (xrf1)  }
0xb4: {  	v5 =	vxor.u32 v5, v7  }
0xb5: {  	vm1 =	vgt.u32 v5, $0xF  }
0xb6: {  	vm1 =	vmor vm1, vm0  }
0xb7: {  	v5 =	vsel vm1, $0x1, v3  }
0xb8: {  	[tilespmem:v6+s22+$0x0] =	vst.idx.msk $0xffff, v5  }
0xb9: {  	v5 =	vld [tilespmem:$0x4600];
	_ =	sdelay $0x3  }
0xba: {  	s23 =	sadd.s32 $0xFFFFFFF0, s4  }
0xbb: {  	s23 =	sand.u32 $0x60, s23;
	vm1 =	veq.s32 v5, $0x0  }
0xbc: {  	s23 =	sadd.s32 s23, s21;
	v4 =	vsel vm1, $0x40000000, v4  }
0xbd: {  	[tilespmem:s23+$0x0] =	vst v4  }
0xbe: {  	v4 =	vld [tilespmem:s3+$0x10];
	_ =	sdelay $0x4  }
0xbf: {  	v5 =	vshll.u32 v4, $0x4  }
0xc0: {  	v5 =	vor.u32 v1, v5  }
0xc1: {  	(xrf1) =	vsort.ascd.msk.u32 $0xffff, v5, v5;
	_ =	sdelay $0xd  }
0xc2: {  	v5, _, _ =	vpop (xrf1)  }
0xc3: {  	(xrf1) =	vsort.ascd.msk.u32 $0xffff, v2, v5;
	_ =	sdelay $0xd  }
0xc4: {  	v6 =	vand.u32 $0xF, v5;
	_, v7, _ =	vpop (xrf1)  }
0xc5: {  	v5 =	vxor.u32 v5, v7  }
0xc6: {  	vm1 =	vgt.u32 v5, $0xF  }
0xc7: {  	vm1 =	vmor vm1, vm0  }
0xc8: {  	v5 =	vsel vm1, $0x1, v3  }
0xc9: {  	[tilespmem:v6+s22+$0x0] =	vst.idx.msk $0xffff, v5  }
0xca: {  	v5 =	vld [tilespmem:$0x4600];
	_ =	sdelay $0x1  }
.Ltmp0:
0xcb: {  	(pc) =	sbr.rel @p0 .LBB2_2-.Ltmp0, $3  }
0xcc: {  	_ =	sdelay $0x1  }
0xcd: {  	s23 =	sand.u32 $0x70, s4;
	vm1 =	veq.s32 v5, $0x0  }
0xce: {  	s21 =	sadd.s32 s23, s21;
	v4 =	vsel vm1, $0x40000000, v4  }
0xcf: {  	[tilespmem:s21+$0x0] =	vst v4  }
0xd0: {  	[spmem:s13] =	stream.linear.scatter [tilespmem:s11], [sflag:$0x4], $0x400, $0x38;
	[tilespmem:$0x17FF0] =	vst v63  }
0xd1: {  	_ =	swait.ge [sflag:s17], $0x400  }
0xd2: {  	[sflag:s17] =	ssyncset.done $0x0  }
0xd3: {  	[sflag:s17] =	ssyncadd.s32 $0xFFFFFC00  }
0xd4: {  	[bflag:$0x0] =	sbarrier.arrive $0xFFFF  }
0xd5: {  	s4 =	simm.s32 $0x600;
	s3 =	rddreg [dreg:$0x6]  }
0xd6: {  	[tilespmem:s4], [sflag:$0x4] =	stream.linear.gather [spmem:s3], $0x4000, $0x38;
	[tilespmem:$0x17FF0] =	vst v63  }
0xd7: {  	_ =	swait.ge [sflag:s17], $0x4000  }
0xd8: {  	s19 =	simm.s32 $0x640;
	[sflag:s17] =	ssyncset.done $0x0  }
0xd9: {  	s3 =	simm.s32 $0xFFFFFFF8;
	s4 =	simm.s32 $0x70;
	[sflag:s17] =	ssyncadd.s32 $0xFFFFC000  }
.LBB2_4:
0xda: {  	v4 =	vld [tilespmem:s19+$0xFFFFFFC0];
	_ =	sdelay $0x4  }
0xdb: {  	v4 =	vsub.s32 v4, v0  }
0xdc: {  	vm1 =	vlt.u32 v4, $0x1870  }
0xdd: {  	v4 =	vnsel vm1, $0x0, v4;
	_ =	sdelay $0x2  }
0xde: {  	s21 =	sadd.s32 $0xFFFFFF90, s4  }
0xdf: {  	v5 =	vor.u32 s21, v1  }
0xe0: {  	[tilespmem:v4+s24+$0x0] =	vst.idx.msk vm1, v5  }
0xe1: {  	v4 =	vld [tilespmem:s19+$0xFFFFFFD0];
	_ =	sdelay $0x4  }
0xe2: {  	v4 =	vsub.s32 v4, v0  }
0xe3: {  	vm1 =	vlt.u32 v4, $0x1870  }
0xe4: {  	v4 =	vnsel vm1, $0x0, v4;
	_ =	sdelay $0x2  }
0xe5: {  	s23 =	sadd.s32 $0xFFFFFFA0, s4  }
0xe6: {  	v5 =	vor.u32 s23, v1  }
0xe7: {  	[tilespmem:v4+s24+$0x0] =	vst.idx.msk vm1, v5  }
0xe8: {  	v4 =	vld [tilespmem:s19+$0xFFFFFFE0];
	_ =	sdelay $0x4  }
0xe9: {  	v4 =	vsub.s32 v4, v0  }
0xea: {  	vm1 =	vlt.u32 v4, $0x1870  }
0xeb: {  	v4 =	vnsel vm1, $0x0, v4;
	_ =	sdelay $0x2  }
0xec: {  	s30 =	sadd.s32 $0xFFFFFFB0, s4  }
0xed: {  	v5 =	vor.u32 s30, v1  }
0xee: {  	[tilespmem:v4+s24+$0x0] =	vst.idx.msk vm1, v5  }
0xef: {  	v4 =	vld [tilespmem:s19+$0xFFFFFFF0];
	_ =	sdelay $0x4  }
0xf0: {  	v4 =	vsub.s32 v4, v0  }
0xf1: {  	vm1 =	vlt.u32 v4, $0x1870  }
0xf2: {  	v4 =	vnsel vm1, $0x0, v4;
	_ =	sdelay $0x2  }
0xf3: {  	s23 =	sadd.s32 $0xFFFFFFC0, s4  }
0xf4: {  	v5 =	vor.u32 s23, v1  }
0xf5: {  	[tilespmem:v4+s24+$0x0] =	vst.idx.msk vm1, v5  }
0xf6: {  	v4 =	vld [tilespmem:s19+$0x0];
	_ =	sdelay $0x4  }
0xf7: {  	v4 =	vsub.s32 v4, v0  }
0xf8: {  	vm1 =	vlt.u32 v4, $0x1870  }
0xf9: {  	v4 =	vnsel vm1, $0x0, v4;
	_ =	sdelay $0x2  }
0xfa: {  	s30 =	sadd.s32 $0xFFFFFFD0, s4  }
0xfb: {  	v5 =	vor.u32 s30, v1  }
0xfc: {  	[tilespmem:v4+s24+$0x0] =	vst.idx.msk vm1, v5  }
0xfd: {  	v4 =	vld [tilespmem:s19+$0x10];
	_ =	sdelay $0x4  }
0xfe: {  	v4 =	vsub.s32 v4, v0  }
0xff: {  	vm1 =	vlt.u32 v4, $0x1870  }
0x100: {  	v4 =	vnsel vm1, $0x0, v4;
	_ =	sdelay $0x2  }
0x101: {  	s23 =	sadd.s32 $0xFFFFFFE0, s4  }
0x102: {  	v5 =	vor.u32 s23, v1  }
0x103: {  	[tilespmem:v4+s24+$0x0] =	vst.idx.msk vm1, v5  }
0x104: {  	v4 =	vld [tilespmem:s19+$0x20];
	_ =	sdelay $0x4  }
0x105: {  	v4 =	vsub.s32 v4, v0  }
0x106: {  	vm1 =	vlt.u32 v4, $0x1870  }
0x107: {  	v4 =	vnsel vm1, $0x0, v4;
	_ =	sdelay $0x2  }
0x108: {  	s30 =	sadd.s32 $0xFFFFFFF0, s4  }
0x109: {  	v5 =	vor.u32 s30, v1  }
0x10a: {  	[tilespmem:v4+s24+$0x0] =	vst.idx.msk vm1, v5  }
0x10b: {  	v4 =	vld [tilespmem:s19+$0x30];
	_ =	sdelay $0x4  }
0x10c: {  	v4 =	vsub.s32 v4, v0  }
0x10d: {  	s3 =	sadd.s32 $0x8, s3;
	vm1 =	vlt.u32 v4, $0x1870  }
0x10e: {  	p0 =	slt.u32 s3, $0x3F8;
	v4 =	vnsel vm1, $0x0, v4  }
.Ltmp1:
0x10f: {  	_ = 	snop;
	(pc) =	sbr.rel @p0 .LBB2_4-.Ltmp1, $3  }
0x110: {  	_ =	sdelay $0x1  }
0x111: {  	v5 =	vor.u32 s4, v1  }
0x112: {  	s4 =	sadd.s32 $0x80, s4;
	s19 =	sadd.s32 $0x80, s19;
	[tilespmem:v4+s24+$0x0] =	vst.idx.msk vm1, v5  }
0x113: {  	[spmem:s14] =	stream.linear.scatter [tilespmem:s24], [sflag:$0x4], $0x1870, $0x38;
	[tilespmem:$0x17FF0] =	vst v63  }
0x114: {  	_ =	swait.ge [sflag:s17], $0x1870  }
0x115: {  	[sflag:s17] =	ssyncset.done $0x0  }
0x116: {  	[sflag:s17] =	ssyncadd.s32 $0xFFFFE790  }
0x117: {  	[bflag:$0x0] =	sbarrier.arrive $0xFFFF  }
0x118: {  	s3 =	rddreg [dreg:$0x7]  }
0x119: {  	[tilespmem:s25], [sflag:$0x1] =	stream.indirect.gather [spmem:s3], $0x1, s18, s20, $0xb8;
	[tilespmem:$0x17FF0] =	vst v63  }
0x11a: {  	_ =	swait.ge [sflag:s26], $0x200  }
0x11b: {  	[sflag:s26] =	ssyncset.done $0x0  }
0x11c: {  	[sflag:s26] =	ssyncadd.s32 $0xFFFFFE00  }
0x11d: {  	[tilespmem:s29], [sflag:$0x1] =	stream.indirect.gather [hbm4b:s1+s28], $0x80, s25, s28, $0xb8;
	[tilespmem:$0x17FF0] =	vst v63  }
0x11e: {  	s30 =	simm.s32 $0x6000  }
0x11f: {  	[tilespmem:s31], [sflag:$0x2] =	stream.indirect.gather [hbm4b:s1+s28], $0x80, s30, s28, $0xb8;
	[tilespmem:$0x17FF0] =	vst v63  }
0x120: {  	_ =	swait.ge [sflag:s26], $0x8000  }
0x121: {  	[sflag:s26] =	ssyncset.done $0x0  }
0x122: {  	[sflag:s26] =	ssyncadd.s32 $0xFFFF8000  }
0x123: {  	[hbm4b:s12+s5] =	stream.linear.scatter [tilespmem:s29], [sflag:$0x1], $0x8000, $0x38;
	[tilespmem:$0x17FF0] =	vst v63  }
0x124: {  	_ =	swait.ge [sflag:s2], $0x8000  }
0x125: {  	[sflag:s2] =	ssyncset.done $0x0  }
0x126: {  	[sflag:s2] =	ssyncadd.s32 $0xFFFF8000  }
0x127: {  	[hbm4b:s15+s5] =	stream.linear.scatter [tilespmem:s31], [sflag:$0x2], $0x8000, $0x38;
	[tilespmem:$0x17FF0] =	vst v63  }
0x128: {  	_ =	swait.ge [sflag:s26], $0x8000  }
0x129: {  	[sflag:s26] =	ssyncset.done $0x0  }
0x12a: {  	[sflag:s26] =	ssyncadd.s32 $0xFFFF8000  }
0x12b: {  	_ =	swait.ge [sflag:s2], $0x8000  }
0x12c: {  	[sflag:s2] =	ssyncset.done $0x0  }
0x12d: {  	s0 =	sadd.s32 $0x1, s0;
	[sflag:s2] =	ssyncadd.s32 $0xFFFF8000  }
0x12e: {  	p0 =	sne.s32 s0, s16;
	_ =	swait.ge [sflag:s6], $0x200  }
.Ltmp2:
0x12f: {  	[sflag:s6] =	ssyncset.done $0x0;
	(pc) =	sbr.rel @p0 .LBB2_1-.Ltmp2, $4  }
0x130: {  	[sflag:s6] =	ssyncadd.s32 $0xFFFFFE00  }
0x131: {  	_ =	swait.ge [sflag:s6], $0x200  }
0x132: {  	[sflag:s6] =	ssyncset.done $0x0  }
0x133: {  	[sflag:s6] =	ssyncadd.s32 $0xFFFFFE00  }
0x134: {  	_ =	sfence.sel $0x180000  }
0x135: {  	[bflag:$0x0] =	sbarrier.arrive $0xFFFF  }
0x136: {  	_ =	strace $0x90000047  }
0x137: {  	s0 =	stileid.u32;
	[bflag:$0x2] =	sbarrier.arrive $0xFFFF  }
0x138: {  	p0 =	sne.s32 s0, $0x0;
	s0 =	rddreg [dreg:$0x8]  }
0x139: {  	s0 =	sadd.s32 @!p0 $0x100000, s0  }
0x13a: {  	[sflag:s0] =	ssyncadd.tile.s32 @!p0 $0x1;
	_ =	shalt  }
.Lfunc_end2:
_tile_overlayer_lowered:
.L_overlay_start_2:
0x13b: {  	(tag) =	ssettag $0x2  }
0x13c: {  	s0 =	rddreg [dreg:$0x0];
	s2 =	stileid.u32  }
0x13d: {  	s1 =	rddreg [dreg:$0x1];
	p0 =	sne.s32 s2, $0x0  }
0x13e: {  	s3 =	rddreg [dreg:$0x2];
	[bflag:$0x3] =	sbarrier.arrive $0xFFFF;
	s2 =	simm.s32 @!p0 $0x1C04  }
0x13f: {  	[timem:s3], [sflag:s2] =	dma.local @!p0 [hbm:s0], s1  }
0x140: {  	s0 =	simm.s32 @!p0 $0x4  }
0x141: {  	_ =	swait.ge @!p0 [sflag:s0], s1  }
0x142: {  	s1 =	ssub.s32 @!p0 $0x0, s1;
	[sflag:s0] =	ssyncset.done @!p0 $0x0  }
0x143: {  	[sflag:s0] =	ssyncadd.s32 @!p0 s1  }
0x144: {  	[bflag:$0x3] =	sbarrier.arrive $0xFFFF  }
0x145: {  	_ =	shalt  }

// kernel: tracklet_row_scatter.3.cloned.1.call-start
scs
__scs_entry_jumppad:
0x0: {  	(pc) =	sbr.rel $0x88, $3  }
0x1: {  	(tag) =	ssettag $0x0;
	lr =	simm.s32 $0x1  }
0x2: {  	[smem:$0x3F9C] =	sst lr;
	_ =	strace $0xD0000000  }
0x3: {  	_ = 	snop  }
0x4: {  	_ = 	snop  }
0x5: {  	_ = 	snop  }
0x6: {  	_ = 	snop  }
0x7: {  	_ = 	snop  }
__scs_overlays_trampoline_lowered:
0x8: {  	[smem:$0x3FAB] =	sst s0  }
0x9: {  	[smem:$0x3FAC] =	sst s1  }
0xa: {  	[smem:$0x3FAD] =	sst s2  }
0xb: {  	[smem:$0x3FAE] =	sst s3  }
0xc: {  	[smem:$0x3FAF] =	sst s4  }
0xd: {  	[smem:$0x3FB0] =	sst s5  }
0xe: {  	[smem:$0x3FB1] =	sst s6  }
0xf: {  	[smem:$0x3FB2] =	sst s7  }
0x10: {  	[smem:$0x3FB3] =	sst s8  }
0x11: {  	[smem:$0x3FB4] =	sst s9;
	s0 =	simm.s32 @!p0 $0x0  }
0x12: {  	s1 =	sld [smem:$0x3F9A];
	s0 =	simm.s32 @p0 $0x1  }
0x13: {  	[smem:$0x3FB5] =	sst s0;
	s0 =	simm.s32 @!p1 $0x0  }
0x14: {  	s2 =	sld [smem:$0x3F99];
	s0 =	simm.s32 @p1 $0x1  }
0x15: {  	[smem:$0x3FB6] =	sst s0;
	s0 =	simm.s32 @!p2 $0x0  }
0x16: {  	s3 =	sld [smem:$0x3FDB];
	s0 =	simm.s32 @p2 $0x1  }
0x17: {  	s4 =	simm.s32 $0x1BF5;
	[smem:$0x3FB8] =	sst s0  }
0x18: {  	s0 =	sld [smem:$0x3F9B];
	_ =	swait.ge [sflag:s4], $0x0  }
0x19: {  	s7 =	sld [smem:$0x3F9C]  }
0x1a: {  	s8 =	sadd.s32 $0xFFFFE003, lr  }
0x1b: {  	s9 =	sadd.s32 $0xFFFFFEF7, lr;
	s5 =	simm.s32 $0xFFFFFFFF;
	p2 =	slt.u32 s8, $0xFFFFF086  }
0x1c: {  	p1 =	slt.u32 s9, $0xF7A;
	s5 =	simm.s32 @!p2 $0x0  }
0x1d: {  	s5 =	simm.s32 @p1 $0x1;
	p0 =	seq.s32 s7, s2  }
0x1e: {  	s7 =	smul.u32 @!p0 $0xF7A, s2;
	p2 =	seq.s32 @!p0 s5, $0x0  }
0x1f: {  	s9 =	smul.u32 $0xF7A, s1;
	s8 =	simm.s32 @!p0 $0x1BF5;
	p2 =	por !p2, p0  }
0x20: {  	[sflag:s8] =	ssyncset.s32 @!p0 $0xFFFFF086;
	s6 =	sadd.s32 @!p0 s3, s7;
	s7 =	simm.s32 @!p0 $0x108  }
0x21: {  	s3 =	sadd.s32 s3, s9;
	s6 =	sadd.s32 @!p0 $0x88, s6;
	s7 =	simm.s32 @p2 $0x1082  }
0x22: {  	[simem:s7], [sflag:s8] =	dma.local @!p0 [hbm:s6], $0xF7A  }
0x23: {  	s9 =	sor.u32 $0xD0000000, s2;
	s6 =	simm.s32 $0x108;
	_ =	swait.ge @!p0 [sflag:s8], $0x0  }
0x24: {  	s3 =	sadd.s32 $0x88, s3;
	s6 =	simm.s32 @!p1 $0x1082;
	[sflag:s4] =	ssyncset.s32 $0xFFFFF086  }
0x25: {  	[simem:s6], [sflag:s4] =	dma.local [hbm:s3], $0xF7A  }
0x26: {  	[smem:$0x3F9C] =	sst s1;
	(tag) =	ssettag s2;
	_ =	strace s9  }
0x27: {  	s1 =	sld [smem:$0x3FAC]  }
0x28: {  	s2 =	sld [smem:$0x3FAD]  }
0x29: {  	s4 =	sld [smem:$0x3FAF]  }
0x2a: {  	p0 =	seq.s32 s5, $0x0;
	s5 =	sld [smem:$0x3FB0]  }
0x2b: {  	s6 =	sld [smem:$0x3FB1]  }
0x2c: {  	s7 =	sld [smem:$0x3FB2]  }
0x2d: {  	s3 =	simm.s32 $0x108;
	s8 =	sld [smem:$0x3FB3]  }
0x2e: {  	s3 =	simm.s32 @!p0 $0x1082;
	s9 =	sld [smem:$0x3FB4]  }
0x2f: {  	lr =	sadd.s32 s0, s3;
	s0 =	sld [smem:$0x3FAB]  }
0x30: {  	s3 =	sld [smem:$0x3FAE]  }
0x31: {  	[smem:$0x3FB7] =	sst s10  }
0x32: {  	s10 =	sld [smem:$0x3FB5];
	_ =	sdelay $0x3  }
0x33: {  	p0 =	seq.s32 s10, $0x1;
	s10 =	sld [smem:$0x3FB7];
	_ =	sdelay $0x3  }
0x34: {  	[smem:$0x3FB7] =	sst s10  }
0x35: {  	s10 =	sld [smem:$0x3FB6];
	_ =	sdelay $0x3  }
0x36: {  	p1 =	seq.s32 s10, $0x1;
	s10 =	sld [smem:$0x3FB7];
	_ =	sdelay $0x3  }
0x37: {  	[smem:$0x3FB7] =	sst s10  }
0x38: {  	s10 =	sld [smem:$0x3FB8]  }
0x39: {  	_ = 	snop;
	(pc) =	sbr.ind lr, $3  }
0x3a: {  	_ = 	snop  }
0x3b: {  	_ = 	snop  }
0x3c: {  	p2 =	seq.s32 s10, $0x1;
	s10 =	sld [smem:$0x3FB7]  }
0x3d: {  	_ =	shalt  }
0x3e: {  	_ =	shalt  }
0x3f: {  	_ =	shalt  }
0x40: {  	_ =	shalt  }
0x41: {  	_ =	shalt  }
0x42: {  	_ =	shalt  }
0x43: {  	_ =	shalt  }
0x44: {  	_ =	shalt  }
0x45: {  	_ =	shalt  }
0x46: {  	_ =	shalt  }
0x47: {  	_ =	shalt  }
0x48: {  	_ =	shalt  }
0x49: {  	_ =	shalt  }
0x4a: {  	_ =	shalt  }
0x4b: {  	_ =	shalt  }
0x4c: {  	_ =	shalt  }
0x4d: {  	_ =	shalt  }
0x4e: {  	_ =	shalt  }
0x4f: {  	_ =	shalt  }
0x50: {  	_ =	shalt  }
0x51: {  	_ =	shalt  }
0x52: {  	_ =	shalt  }
0x53: {  	_ =	shalt  }
0x54: {  	_ =	shalt  }
0x55: {  	_ =	shalt  }
0x56: {  	_ =	shalt  }
0x57: {  	_ =	shalt  }
0x58: {  	_ =	shalt  }
0x59: {  	_ =	shalt  }
0x5a: {  	_ =	shalt  }
0x5b: {  	_ =	shalt  }
0x5c: {  	_ =	shalt  }
0x5d: {  	_ =	shalt  }
0x5e: {  	_ =	shalt  }
0x5f: {  	_ =	shalt  }
0x60: {  	_ =	shalt  }
0x61: {  	_ =	shalt  }
0x62: {  	_ =	shalt  }
0x63: {  	_ =	shalt  }
0x64: {  	_ =	shalt  }
0x65: {  	_ =	shalt  }
0x66: {  	_ =	shalt  }
0x67: {  	_ =	shalt  }
0x68: {  	_ =	shalt  }
0x69: {  	_ =	shalt  }
0x6a: {  	_ =	shalt  }
0x6b: {  	_ =	shalt  }
0x6c: {  	_ =	shalt  }
0x6d: {  	_ =	shalt  }
0x6e: {  	_ =	shalt  }
0x6f: {  	_ =	shalt  }
0x70: {  	_ =	shalt  }
0x71: {  	_ =	shalt  }
0x72: {  	_ =	shalt  }
0x73: {  	_ =	shalt  }
0x74: {  	_ =	shalt  }
0x75: {  	_ =	shalt  }
0x76: {  	_ =	shalt  }
0x77: {  	_ =	shalt  }
0x78: {  	_ =	shalt  }
0x79: {  	_ =	shalt  }
0x7a: {  	_ =	shalt  }
0x7b: {  	_ =	shalt  }
0x7c: {  	_ =	shalt  }
0x7d: {  	_ =	shalt  }
0x7e: {  	_ =	shalt  }
0x7f: {  	_ =	shalt  }
0x80: {  	_ =	shalt  }
0x81: {  	_ =	shalt  }
0x82: {  	_ =	shalt  }
0x83: {  	_ =	shalt  }
0x84: {  	_ =	shalt  }
0x85: {  	_ =	shalt  }
0x86: {  	_ =	shalt  }
0x87: {  	_ =	shalt  }
.Lfunc_end0:
.L_simem_size_0:
called_computation.1_lowered:
.L_overlay_start_0:
0x88: {  	s2 =	sld [smem:$0x3FD9]  }
0x89: {  	s3 =	sld [smem:$0x3FFE];
	_ =	sdelay $0x1  }
0x8a: {  	s1 =	srdreg.scid  }
0x8b: {  	s0 =	sand.u32 $0x1, s1  }
0x8c: {  	s15 =	sshll.u32 s0, $0xA;
	s2 =	sadd.s32 s3, s2  }
0x8d: {  	s2 =	sadd.s32 s2, s15  }
0x8e: {  	[smem:$0x3FC3] =	sst s2  }
0x8f: {  	_ = 	snop  }
0x90: {  	s2 =	sld [smem:$0x3FD0];
	_ =	sdelay $0x2  }
0x91: {  	s4 =	simm.s32 $0xA;
	s5 =	simm.s32 $0x10;
	s16 =	sld [smem:$0x3FC6]  }
0x92: {  	[smem:s5], [sflag:s4] =	dma.local [hbm:s2], $0x1  }
0x93: {  	_ =	swait.eq [sflag:s4], $0x1  }
0x94: {  	[sflag:s4] =	ssyncset.done $0x0  }
0x95: {  	s17 =	sld [smem:$0x10];
	[sflag:s4] =	ssyncadd.s32 $0xFFFFFFFF  }
0x96: {  	s18 =	sld [smem:$0x13];
	(tm) =	ssettm $0x1  }
0x97: {  	s19 =	sld [smem:$0x3FFB];
	_ =	sdelay $0x3  }
0x98: {  	_ =	strace s19  }
0x99: {  	s5 =	sld [smem:$0x3FFC];
	_ =	sdelay $0x3  }
0x9a: {  	_ =	strace s5  }
0x9b: {  	s5 =	sld [smem:$0x3FFD];
	_ =	sdelay $0x3  }
0x9c: {  	_ =	strace s5  }
0x9d: {  	_ =	strace $0x8FFFFFFF  }
0x9e: {  	s20 =	sld [smem:$0x3FDB];
	_ =	sdelay $0x1  }
0x9f: {  	s6 =	simm.s32 $_scs_section_size  }
0xa0: {  	s7 =	simm.s32 $_size__tile_overlayer_lowered;
	s8 =	simm.s32 $_tile_overlayer_lowered  }
0xa1: {  	s23 =	simm.s32 $0x1BFF;
	s22 =	sshll.u32 s8, $0x1;
	s5 =	sadd.s32 s6, s20  }
0xa2: {  	s9 =	simm.s32 $0x0;
	s21 =	sshll.u32 s7, $0x1;
	s7 =	sadd.s32 s22, s5  }
0xa3: {  	[timem:s9], [sflag:s23] =	dma.local [hbm:s7], s21  }
0xa4: {  	_ =	swait.ge [sflag:s23], s21  }
0xa5: {  	s6 =	ssub.s32 $0x0, s21;
	[sflag:s23] =	ssyncset.done $0x0  }
0xa6: {  	[sflag:s23] =	ssyncadd.s32 s6;
	_ =	sdelay $0x1  }
0xa7: {  	s24 =	simm.s32 $0x1B8B  }
0xa8: {  	_ =	swait.ge [sflag:s24], $0x1  }
0xa9: {  	[sflag:s24] =	ssyncset.done $0x0  }
0xaa: {  	s25 =	simm.s32 $0x1B8E;
	[sflag:s24] =	ssyncadd.s32 $0xFFFFFFFF  }
0xab: {  	s26 =	simm.s32 $execute0_lowered;
	[smem:$0x3FD2] =	sst s25  }
0xac: {  	s6 =	sshll.u32 s26, $0x1;
	_ =	strace $0x80000049;
	[dreg:$0x1] =	wrdreg $0xFFFFFFFF  }
0xad: {  	s28 =	simm.s32 $_size_execute0_lowered;
	s5 =	sadd.s32 s5, s6;
	[dreg:$0x0] =	wrdreg $0x0  }
0xae: {  	s6 =	sshll.u32 s28, $0x1;
	[dreg:$0x2] =	wrdreg s5  }
0xaf: {  	[dreg:$0x3] =	wrdreg s6  }
0xb0: {  	[dreg:$0x4] =	wrdreg $0xC0  }
0xb1: {  	_ =	task [dreg:s9], $0x5FFFF  }
0xb2: {  	[dreg:$0x1] =	wrdreg $0xFFFFFFFF  }
0xb3: {  	[dreg:$0x0] =	wrdreg $0x60  }
0xb4: {  	[dreg:$0x2] =	wrdreg s17  }
0xb5: {  	[dreg:$0x3] =	wrdreg s18  }
0xb6: {  	[dreg:$0x4] =	wrdreg s16  }
0xb7: {  	[dreg:$0x5] =	wrdreg $0x9  }
0xb8: {  	_ =	task.clear_ibuf [dreg:s9], $0x6FFFF;
	_ =	strace $0x90000049  }
0xb9: {  	s29 =	simm.s32 $0x9;
	_ =	strace $0x8000004B  }
0xba: {  	_ =	swait.ge [sflag:s29], $0x1  }
0xbb: {  	[sflag:s29] =	ssyncadd.s32 $0xFFFFFFFF  }
0xbc: {  	_ =	strace $0x9000004B  }
0xbd: {  	_ =	sfence  }
0xbe: {  	s30 =	sld [smem:$0x0];
	_ =	sdelay $0x2  }
0xbf: {  	s31 =	sshll.u32 s1, $0xD;
	s1 =	sshrl.u32 s1, $0x2  }
0xc0: {  	s3 =	sand.u32 $0x4000, s31;
	s1 =	sadd.s32 s1, s30  }
0xc1: {  	s0 =	sor.u32 s3, s0;
	s1 =	sshll.u32 s1, $0x11  }
0xc2: {  	s0 =	sor.u32 s1, s0  }
0xc3: {  	s0 =	sadd.s32 $0x8F2B, s0  }
0xc4: {  	[sflag:s0] =	ssyncadd.remote.s32 $0x1  }
0xc5: {  	_ =	sfence.sel $0xFFFF  }
0xc6: {  	[dreg:$0x0] =	wrdreg $0xFFFFFFFF;
	(pc) =	sbr.abs _section_cstart, $3  }
0xc7: {  	[dreg:$0x1] =	wrdreg $0xFFFFFFFF  }
0xc8: {  	_ =	task.clear_ibuf [dreg:s9], $0x2FFFF;
	_ =	strace $0x9FFFFFFF  }
0xc9: {  	(tm) =	ssettm $0x7FFFFFFF  }
tec
execute0_lowered:
.L_overlay_start_1:
0x0: {  	(tag) =	ssettag $0x1  }
0x1: {  	s1 =	rddreg [dreg:$0x0];
	s2 =	srdreg.scid  }
0x2: {  	s10 =	rddreg [dreg:$0x1];
	s0 =	stileid.u32;
	s14 =	sand.u32 $0x1, s2  }
0x3: {  	s8 =	rddreg [dreg:$0x2];
	s5 =	sshll.u32 s0, $0x9;
	s4 =	sshll.u32 s14, $0xD  }
0x4: {  	s3 =	simm.s32 $0x0;
	s2 =	rddreg [dreg:$0x3];
	s7 =	sor.u32 s5, s4  }
0x5: {  	[smem:$0x7FF] =	sst s3;
	s4 =	sshrl.u32 s7, $0x3  }
0x6: {  	_ =	strace $0x8000004A;
	s5 =	simm.s32 $0x3;
	s4 =	sadd.s32 s8, s4  }
0x7: {  	[tilespmem:s3], [sflag:$0x3] =	stream.linear.gather [hbm4b:s4+s3], $0x100, $0x38;
	[tilespmem:$0x10200] =	vst v63  }
0x8: {  	s6 =	sshll.u32 s7, $0x4;
	_ =	swait.ge [sflag:s5], $0x100  }
0x9: {  	s11 =	sor.u32 $0x100, s7;
	s7 =	simm.s32 $0x200;
	[sflag:s5] =	ssyncset.done $0x0  }
0xa: {  	s6 =	sadd.s32 s10, s6;
	s9 =	sshrl.u32 s11, $0x3;
	[sflag:s5] =	ssyncadd.s32 $0xFFFFFF00  }
0xb: {  	[tilespmem:s7], [sflag:$0x1] =	stream.linear.gather [hbm4b:s6+s3], $0x8000, $0x38;
	[tilespmem:$0x10200] =	vst v63  }
0xc: {  	s8 =	sadd.s32 s8, s9;
	s9 =	simm.s32 $0x100  }
0xd: {  	[tilespmem:s9], [sflag:$0x3] =	stream.linear.gather [hbm4b:s8+s3], $0x100, $0x38;
	[tilespmem:$0x10200] =	vst v63  }
0xe: {  	_ =	swait.ge [sflag:s5], $0x100  }
0xf: {  	s12 =	simm.s32 $0x1;
	s11 =	sshll.u32 s11, $0x4;
	[sflag:s5] =	ssyncset.done $0x0  }
0x10: {  	s10 =	sadd.s32 s10, s11;
	s11 =	simm.s32 $0x8200;
	[sflag:s5] =	ssyncadd.s32 $0xFFFFFF00  }
0x11: {  	[tilespmem:s11], [sflag:$0x2] =	stream.linear.gather [hbm4b:s10+s3], $0x8000, $0x38;
	[tilespmem:$0x10200] =	vst v63  }
0x12: {  	_ =	swait.ge [sflag:s12], $0x8000  }
0x13: {  	s14 =	ssub.s32 $0x2, s14;
	[sflag:s12] =	ssyncset.done $0x0  }
0x14: {  	s13 =	simm.s32 $0x2;
	s15 =	sshrl.u32 s14, $0x1;
	[sflag:s12] =	ssyncadd.s32 $0xFFFF8000  }
0x15: {  	[hbm4b:s1+s9] =	stream.indirect.scatter [tilespmem:s7], [sflag:$0x1], $0x80, s3, s9, $0xb8;
	[tilespmem:$0x10200] =	vst v63  }
0x16: {  	s14 =	ssub.s32 s14, s15;
	_ =	swait.ge [sflag:s13], $0x8000  }
0x17: {  	s14 =	smax.u32 s14, $0x1;
	[sflag:s13] =	ssyncset.done $0x0  }
0x18: {  	p0 =	sne.s32 s14, $0x1;
	[sflag:s13] =	ssyncadd.s32 $0xFFFF8000  }
0x19: {  	[hbm4b:s1+s9] =	stream.indirect.scatter [tilespmem:s11], [sflag:$0x2], $0x80, s9, s9, $0xb8;
	[tilespmem:$0x10200] =	vst v63  }
.Ltmp0:
0x1a: {  	_ =	swait.ge [sflag:s12], $0x8000;
	(pc) =	sbr.rel @!p0 .LBB2_2-.Ltmp0, $4  }
0x1b: {  	[sflag:s12] =	ssyncset.done $0x0  }
0x1c: {  	[sflag:s12] =	ssyncadd.s32 $0xFFFF8000  }
0x1d: {  	_ =	swait.ge [sflag:s13], $0x8000  }
0x1e: {  	s14 =	sadd.s32 $0xFFFFFFFF, s14;
	[sflag:s13] =	ssyncset.done $0x0  }
.LBB2_1:
0x1f: {  	p0 =	sne.s32 s14, $0x1;
	s14 =	sadd.s32 $0xFFFFFFFF, s14;
	[sflag:s13] =	ssyncadd.s32 $0xFFFF8000  }
0x20: {  	[tilespmem:s3], [sflag:$0x3] =	stream.linear.gather [hbm4b:s4+s3], $0x100, $0x38;
	[tilespmem:$0x10200] =	vst v63  }
0x21: {  	_ =	swait.ge [sflag:s5], $0x100  }
0x22: {  	[sflag:s5] =	ssyncset.done $0x0  }
0x23: {  	[sflag:s5] =	ssyncadd.s32 $0xFFFFFF00  }
0x24: {  	[tilespmem:s7], [sflag:$0x1] =	stream.linear.gather [hbm4b:s6+s3], $0x8000, $0x38;
	[tilespmem:$0x10200] =	vst v63  }
0x25: {  	_ = 	snop  }
0x26: {  	[tilespmem:s9], [sflag:$0x3] =	stream.linear.gather [hbm4b:s8+s3], $0x100, $0x38;
	[tilespmem:$0x10200] =	vst v63  }
0x27: {  	_ =	swait.ge [sflag:s5], $0x100  }
0x28: {  	[sflag:s5] =	ssyncset.done $0x0  }
0x29: {  	[sflag:s5] =	ssyncadd.s32 $0xFFFFFF00  }
0x2a: {  	[tilespmem:s11], [sflag:$0x2] =	stream.linear.gather [hbm4b:s10+s3], $0x8000, $0x38;
	[tilespmem:$0x10200] =	vst v63  }
0x2b: {  	_ =	swait.ge [sflag:s12], $0x8000  }
0x2c: {  	[sflag:s12] =	ssyncset.done $0x0  }
0x2d: {  	[sflag:s12] =	ssyncadd.s32 $0xFFFF8000  }
0x2e: {  	[hbm4b:s1+s9] =	stream.indirect.scatter [tilespmem:s7], [sflag:$0x1], $0x80, s3, s9, $0xb8;
	[tilespmem:$0x10200] =	vst v63  }
0x2f: {  	_ =	swait.ge [sflag:s13], $0x8000  }
0x30: {  	[sflag:s13] =	ssyncset.done $0x0  }
0x31: {  	[sflag:s13] =	ssyncadd.s32 $0xFFFF8000  }
0x32: {  	[hbm4b:s1+s9] =	stream.indirect.scatter [tilespmem:s11], [sflag:$0x2], $0x80, s9, s9, $0xb8;
	[tilespmem:$0x10200] =	vst v63  }
.Ltmp1:
0x33: {  	_ =	swait.ge [sflag:s12], $0x8000;
	(pc) =	sbr.rel @p0 .LBB2_1-.Ltmp1, $4  }
0x34: {  	[sflag:s12] =	ssyncset.done $0x0  }
0x35: {  	[sflag:s12] =	ssyncadd.s32 $0xFFFF8000  }
0x36: {  	_ =	swait.ge [sflag:s13], $0x8000  }
0x37: {  	[sflag:s13] =	ssyncset.done $0x0  }
.LBB2_2:
0x38: {  	[sflag:s13] =	ssyncadd.s32 $0xFFFF8000  }
0x39: {  	_ =	sfence.sel $0x180000  }
0x3a: {  	[bflag:$0x0] =	sbarrier.arrive $0xFFFF  }
0x3b: {  	p0 =	sne.s32 s0, $0x0;
	_ =	strace $0x9000004A  }
0x3c: {  	s0 =	sadd.s32 @!p0 $0x100000, s2;
	[bflag:$0x2] =	sbarrier.arrive $0xFFFF  }
0x3d: {  	[sflag:s0] =	ssyncadd.tile.s32 @!p0 $0x1;
	_ =	shalt  }
.Lfunc_end2:
_tile_overlayer_lowered:
.L_overlay_start_2:
0x3e: {  	(tag) =	ssettag $0x2  }
0x3f: {  	s0 =	rddreg [dreg:$0x0];
	s2 =	stileid.u32  }
0x40: {  	s1 =	rddreg [dreg:$0x1];
	p0 =	sne.s32 s2, $0x0  }
0x41: {  	s3 =	rddreg [dreg:$0x2];
	[bflag:$0x3] =	sbarrier.arrive $0xFFFF;
	s2 =	simm.s32 @!p0 $0x1C03  }
0x42: {  	[timem:s3], [sflag:s2] =	dma.local @!p0 [hbm:s0], s1  }
0x43: {  	s0 =	simm.s32 @!p0 $0x3  }
0x44: {  	_ =	swait.ge @!p0 [sflag:s0], s1  }
0x45: {  	s1 =	ssub.s32 @!p0 $0x0, s1;
	[sflag:s0] =	ssyncset.done @!p0 $0x0  }
0x46: {  	[sflag:s0] =	ssyncadd.s32 @!p0 s1  }
0x47: {  	[bflag:$0x3] =	sbarrier.arrive $0xFFFF  }
0x48: {  	_ =	shalt  }

</sc_bundles>
